<compile_context>
chip_gen: v7x
topology: tpu7x:2x2x1
jax: 0.10.2.dev20260603
libtpu: 0.0.44.dev20260713+nightly
codegen_flags: <defaults>
</compile_context>

<pallas_src>
import functools
import numpy as np

import jax
import jax.numpy as jnp
from jax import lax
from jax.experimental import pallas as pl
from jax.experimental.pallas import tpu as pltpu
from jax.experimental.pallas import tpu_sc as plsc

_ROT1 = (13, 15, 26, 6)
_ROT2 = (17, 29, 16, 24)
_KS1 = np.int32(42)
_KS2 = np.int32(np.uint32(0) ^ np.uint32(42) ^ np.uint32(0x1BD11BDA))
_TINY = np.float32(np.finfo(np.float32).tiny)
_ONE_BITS = np.int32(0x3F800000)
_NEG_INF = np.float32(-np.inf)
_BIG_IDX = np.int32(2**31 - 1)

_BLK = 2048
_SC_CHUNK = 2048
_SC_ROWS_PER_SUBCORE = 2


def _rotl(x, r):
    return lax.shift_left(x, np.int32(r)) | lax.shift_right_logical(
        x, np.int32(32 - r))


def _rounds(x0, x1, rots):
    for r in rots:
        x0 = x0 + x1
        x1 = _rotl(x1, r) ^ x0
    return x0, x1


def _threefry_bits(x1):
    x0 = x1
    x1 = _rotl(x1, _ROT1[0]) ^ x0
    for r in _ROT1[1:]:
        x0 = x0 + x1
        x1 = _rotl(x1, r) ^ x0
    x0 = x0 + _KS1
    x1 = x1 + np.int32(_KS2 + np.int32(1))
    x0, x1 = _rounds(x0, x1, _ROT2)
    x0 = x0 + _KS2
    x1 = x1 + np.int32(2)
    x0, x1 = _rounds(x0, x1, _ROT1)
    x1 = x1 + np.int32(_KS1 + np.int32(3))
    x0, x1 = _rounds(x0, x1, _ROT2)
    x0 = x0 + _KS1
    x1 = x1 + np.int32(_KS2 + np.int32(4))
    x0, x1 = _rounds(x0, x1, _ROT1)
    x0 = x0 + _KS2
    x1 = x1 + np.int32(5)
    return x0 ^ x1


def _bits_to_u(bits):
    fbits = lax.shift_right_logical(bits, np.int32(9)) | _ONE_BITS
    return lax.bitcast_convert_type(fbits, jnp.float32) - np.float32(1.0) \
        + _TINY


def _update_running(best_val, best_idx, val, ci, base):
    bmax = jnp.max(val, axis=1, keepdims=True)
    bidx = base + jnp.min(jnp.where(val == bmax, ci, _BIG_IDX), axis=1,
                          keepdims=True)
    upd = bmax > best_val[...]
    best_val[...] = jnp.where(upd, bmax, best_val[...])
    best_idx[...] = jnp.where(upd, bidx, best_idx[...])


def _main_kernel(logits_ref, val_out, idx_out, best_val, best_idx, seed_ref,
                 *, blk, cols, limit, nblk):
    i = pl.program_id(0)
    rows = logits_ref.shape[0]

    @pl.when(i == 0)
    def _init():
        best_val[...] = jnp.full_like(best_val, _NEG_INF)
        best_idx[...] = jnp.zeros_like(best_idx)
        col0 = lax.broadcasted_iota(jnp.int32, (rows, blk), 1)
        row = lax.broadcasted_iota(jnp.int32, (rows, blk), 0)
        seed_ref[...] = row * np.int32(cols) + col0 + _KS1

    base = i * blk
    bits = _threefry_bits(seed_ref[...] + base)
    u = _bits_to_u(bits)
    g = -jnp.log(-jnp.log(u))
    val = g + logits_ref[...]
    ci = lax.broadcasted_iota(jnp.int32, (rows, blk), 1)
    val = jnp.where(ci < np.int32(limit) - base, val, _NEG_INF)
    _update_running(best_val, best_idx, val, ci, base)

    @pl.when(i == nblk - 1)
    def _emit():
        val_out[...] = best_val[...]
        idx_out[...] = best_idx[...]


def _tail_kernel(u_ref, logits_ref, pval_ref, pidx_ref, out_ref, best_val,
                 best_idx, *, blk, cols, start, nblk):
    i = pl.program_id(0)
    rows = u_ref.shape[0]

    @pl.when(i == 0)
    def _init():
        best_val[...] = pval_ref[...]
        best_idx[...] = pidx_ref[...]

    base = start + i * blk
    g = -jnp.log(-jnp.log(u_ref[...]))
    val = g + logits_ref[...]
    ci = lax.broadcasted_iota(jnp.int32, (rows, blk), 1)
    val = jnp.where(ci < np.int32(cols) - base, val, _NEG_INF)
    _update_running(best_val, best_idx, val, ci, base)

    @pl.when(i == nblk - 1)
    def _emit():
        out_ref[...] = best_idx[...]


def _sc_u_kernel(o_hbm, buf, sem, *, rows, cols, start, sc_cols):
    core = lax.axis_index("core")
    sub = lax.axis_index("subcore")
    sc_id = core * np.int32(16) + sub
    nchunk = sc_cols // _SC_CHUNK
    lane = lax.iota(jnp.int32, 16)

    @pl.loop(0, _SC_ROWS_PER_SUBCORE)
    def _row(rr):
        r = sc_id * np.int32(_SC_ROWS_PER_SUBCORE) + rr
        n_row = r * np.int32(cols) + np.int32(start + _KS1)

        @pl.loop(0, nchunk)
        def _chunk(ch):
            p = lax.rem(ch, np.int32(2))

            @pl.when(ch >= 2)
            def _reclaim():
                pltpu.make_async_copy(
                    buf.at[0],
                    o_hbm.at[r, pl.ds(0, _SC_CHUNK)], sem).wait()

            n_chunk = n_row + ch * np.int32(_SC_CHUNK)

            @pl.loop(0, _SC_CHUNK // 16)
            def _vec(v):
                x1 = (n_chunk + v * np.int32(16)) + lane
                buf[p, pl.ds(v * 16, 16)] = _bits_to_u(_threefry_bits(x1))

            pltpu.async_copy(
                buf.at[p], o_hbm.at[r, pl.ds(ch * _SC_CHUNK, _SC_CHUNK)],
                sem)

        @pl.when(nchunk >= 1)
        def _drain0():
            pltpu.make_async_copy(
                buf.at[0], o_hbm.at[r, pl.ds(0, _SC_CHUNK)], sem).wait()

        @pl.when(nchunk >= 2)
        def _drain1():
            pltpu.make_async_copy(
                buf.at[0], o_hbm.at[r, pl.ds(0, _SC_CHUNK)], sem).wait()


def kernel(logits):
    rows, cols = logits.shape
    blk = _BLK
    use_sc = rows == 64 and cols > 200000
    if use_sc:
        nblk_main = max(1, int(round(0.709 * cols / blk)))
        limit = nblk_main * blk
        sc_cols = ((cols - limit + _SC_CHUNK - 1) // _SC_CHUNK) * _SC_CHUNK
    else:
        limit = cols
        sc_cols = 0
        nblk_main = (limit + blk - 1) // blk

    pval, pidx = pl.pallas_call(
        functools.partial(_main_kernel, blk=blk, cols=cols, limit=limit,
                          nblk=nblk_main),
        grid=(nblk_main,),
        in_specs=[pl.BlockSpec((rows, blk), lambda i: (0, i))],
        out_specs=[pl.BlockSpec((rows, 1), lambda i: (0, 0)),
                   pl.BlockSpec((rows, 1), lambda i: (0, 0))],
        out_shape=[jax.ShapeDtypeStruct((rows, 1), jnp.float32),
                   jax.ShapeDtypeStruct((rows, 1), jnp.int32)],
        scratch_shapes=[
            pltpu.VMEM((rows, 1), jnp.float32),
            pltpu.VMEM((rows, 1), jnp.int32),
            pltpu.VMEM((rows, blk), jnp.int32),
        ],
    )(logits)

    if sc_cols == 0:
        return pidx.reshape(-1)

    mesh = plsc.VectorSubcoreMesh(core_axis_name="core",
                                  subcore_axis_name="subcore")
    sc_fn = pl.kernel(
        functools.partial(_sc_u_kernel, rows=rows, cols=cols, start=limit,
                          sc_cols=sc_cols),
        out_type=jax.ShapeDtypeStruct((rows, sc_cols), jnp.float32),
        mesh=mesh,
        scratch_types=[pltpu.VMEM((2, _SC_CHUNK), jnp.float32),
                       pltpu.SemaphoreType.DMA],
    )
    u_tail = sc_fn()

    nblk_tail = sc_cols // blk
    nblk_off = limit // blk
    out = pl.pallas_call(
        functools.partial(_tail_kernel, blk=blk, cols=cols, start=limit,
                          nblk=nblk_tail),
        grid=(nblk_tail,),
        in_specs=[
            pl.BlockSpec((rows, blk), lambda i: (0, i)),
            pl.BlockSpec((rows, blk), lambda i, o=nblk_off: (0, o + i)),
            pl.BlockSpec((rows, 1), lambda i: (0, 0)),
            pl.BlockSpec((rows, 1), lambda i: (0, 0)),
        ],
        out_specs=pl.BlockSpec((rows, 1), lambda i: (0, 0)),
        out_shape=jax.ShapeDtypeStruct((rows, 1), jnp.int32),
        scratch_shapes=[
            pltpu.VMEM((rows, 1), jnp.float32),
            pltpu.VMEM((rows, 1), jnp.int32),
        ],
    )(u_tail, logits, pval, pidx)
    return out.reshape(-1)

# --- scband reference (transcript-rebuilt; emitter-appended) ---
"""Pipeline reference for scband-sampler-76347338654329 (READ-ONLY COPY).

The authoritative reference and input builder live on the scoring server;
editing this copy changes nothing except your own understanding.
"""

import jax, jax.numpy as jnp
import numpy as np

def setup_inputs(seed: int = 0) -> dict:
    key = jax.random.key(seed)
    logits = jax.random.normal(key, (64, 1000000), dtype=jnp.float32)
    return {"logits": logits}

def reference(logits):
    # torch: distributions = softmax(logits, -1); torch.multinomial(distributions, 1).view(-1)
    # jax.random.categorical samples from softmax(logits) via the Gumbel-max trick,
    # which is distributionally identical to multinomial sampling of the softmax.
    key = jax.random.key(42)
    samples = jax.random.categorical(key, logits, axis=-1)
    return samples.reshape(-1)

if __name__ == "__main__":
    import jax
    _d = setup_inputs()
    print(jax.jit(kernel)(*tuple(_d.values())))

</pallas_src>

<mosaic_0001>
#map = affine_map<(d0, d1) -> (0, 0)>
module attributes {stable_mosaic.version = 14 : i64} {
  func.func @_sc_u_kernel(%arg0: i32, %arg1: i32, %arg2: memref<64x292864xf32, #tpu.memory_space<hbm>>, %arg3: memref<2x2048xf32, #tpu.memory_space<vmem>>, %arg4: memref<!tpu.dma_semaphore, #tpu.memory_space<semaphore_mem>>) attributes {dimension_semantics = [#tpu.dimension_semantics<core_parallel>, #tpu.dimension_semantics<subcore_parallel>], iteration_bounds = array<i64: 2, 16>, scalar_prefetch = 0 : i64, scratch_operands = 2 : i64, tpu.core_type = #tpu.core_type<sc_vector_subcore>, window_params = [{transform_indices = #map}]} {
    %mul3A = arith.constant 16 : i32
    %mul3A_0 = arith.muli %arg0, %mul3A : i32
    %add3A = arith.addi %mul3A_0, %arg1 : i32
    %iota3A = tpu.iota {dimensions = array<i32: 0>} : vector<16xi32>
    %scan3A = arith.constant 0 : i32
    %scan3A_1 = arith.constant 2 : i32
    %scan3A_2 = arith.addi %scan3A, %scan3A_1 : i32
    %scan3A_3 = arith.constant 1 : i32
    scf.for %scan3A_5 = %scan3A to %scan3A_2 step %scan3A_3  : i32 {
      %mul3A_6 = arith.constant 1 : i32
      %mul3A_7 = arith.muli %scan3A_5, %mul3A_6 : i32
      %add3A_8 = arith.constant 0 : i32
      %add3A_9 = arith.addi %add3A_8, %mul3A_7 : i32
      %mul3A_10 = arith.constant 2 : i32
      %mul3A_11 = arith.muli %add3A, %mul3A_10 : i32
      %add3A_12 = arith.addi %mul3A_11, %add3A_9 : i32
      %mul3A_13 = arith.constant 1000000 : i32
      %mul3A_14 = arith.muli %add3A_12, %mul3A_13 : i32
      %add3A_15 = arith.constant 708650 : i32
      %add3A_16 = arith.addi %mul3A_14, %add3A_15 : i32
      %scan3A_17 = arith.constant 0 : i32
      %scan3A_18 = arith.constant 143 : i32
      %scan3A_19 = arith.addi %scan3A_17, %scan3A_18 : i32
      %scan3A_20 = arith.constant 1 : i32
      scf.for %scan3A_47 = %scan3A_17 to %scan3A_19 step %scan3A_20  : i32 {
        %mul3A_48 = arith.constant 1 : i32
        %mul3A_49 = arith.muli %scan3A_47, %mul3A_48 : i32
        %add3A_50 = arith.constant 0 : i32
        %add3A_51 = arith.addi %add3A_50, %mul3A_49 : i32
        %rem3A = arith.constant 2 : i32
        %rem3A_52 = arith.remsi %add3A_51, %rem3A : i32
        %ge3A = arith.constant 2 : i32
        %ge3A_53 = arith.cmpi sge, %add3A_51, %ge3A : i32
        %convert_element_type3A = arith.extui %ge3A_53 : i1 to i32
        %cond3A = arith.constant 0 : i32
        %cond3A_54 = arith.cmpi ne, %convert_element_type3A, %cond3A : i32
        scf.if %cond3A_54 {
          %dma_wait3A_74 = arith.constant 0 : i32
          %dma_wait3A_75 = arith.constant 0 : i32
          %dma_wait3A_76 = tpu.memref_slice %arg3[%dma_wait3A_74, %dma_wait3A_75] : memref<2x2048xf32, #tpu.memory_space<vmem>> -> memref<1x2048xf32, #tpu.memory_space<vmem>>
          %dma_wait3A_77 = tpu.memref_squeeze %dma_wait3A_76 : memref<1x2048xf32, #tpu.memory_space<vmem>> -> memref<2048xf32, #tpu.memory_space<vmem>>
          %dma_wait3A_78 = arith.constant 0 : i32
          %dma_wait3A_79 = tpu.memref_slice %arg2[%add3A_12, %dma_wait3A_78] : memref<64x292864xf32, #tpu.memory_space<hbm>> -> memref<1x2048xf32, #tpu.memory_space<hbm>>
          %dma_wait3A_80 = tpu.memref_squeeze %dma_wait3A_79 : memref<1x2048xf32, #tpu.memory_space<hbm>> -> memref<2048xf32, #tpu.memory_space<hbm>>
          %dma_wait3A_81 = arith.constant 0 : i32
          %dma_wait3A_82 = tpu.memref_slice %arg2[%add3A_12, %dma_wait3A_81] : memref<64x292864xf32, #tpu.memory_space<hbm>> -> memref<1x2048xf32, #tpu.memory_space<hbm>>
          %dma_wait3A_83 = tpu.memref_squeeze %dma_wait3A_82 : memref<1x2048xf32, #tpu.memory_space<hbm>> -> memref<2048xf32, #tpu.memory_space<hbm>>
          %dma_wait3A_84 = arith.constant 0 : i32
          %dma_wait3A_85 = tpu.memref_slice %arg3[%dma_wait3A_74, %dma_wait3A_84] : memref<2x2048xf32, #tpu.memory_space<vmem>> -> memref<1x2048xf32, #tpu.memory_space<vmem>>
          %dma_wait3A_86 = tpu.memref_squeeze %dma_wait3A_85 : memref<1x2048xf32, #tpu.memory_space<vmem>> -> memref<2048xf32, #tpu.memory_space<vmem>>
          tpu.wait_dma2 semaphore(%arg4 : memref<!tpu.dma_semaphore, #tpu.memory_space<semaphore_mem>>) src(%dma_wait3A_86 : memref<2048xf32, #tpu.memory_space<vmem>>) dst(%dma_wait3A_83 : memref<2048xf32, #tpu.memory_space<hbm>>)
        } else {
        }
        %mul3A_55 = arith.constant 2048 : i32
        %mul3A_56 = arith.muli %add3A_51, %mul3A_55 : i32
        %add3A_57 = arith.addi %add3A_16, %mul3A_56 : i32
        %scan3A_58 = arith.constant 0 : i32
        %scan3A_59 = arith.constant 128 : i32
        %scan3A_60 = arith.addi %scan3A_58, %scan3A_59 : i32
        %scan3A_61 = arith.constant 1 : i32
        scf.for %scan3A_74 = %scan3A_58 to %scan3A_60 step %scan3A_61  : i32 {
          %mul3A_75 = arith.constant 1 : i32
          %mul3A_76 = arith.muli %scan3A_74, %mul3A_75 : i32
          %add3A_77 = arith.constant 0 : i32
          %add3A_78 = arith.addi %add3A_77, %mul3A_76 : i32
          %mul3A_79 = arith.constant 16 : i32
          %mul3A_80 = arith.muli %add3A_78, %mul3A_79 : i32
          %add3A_81 = arith.addi %add3A_57, %mul3A_80 : i32
          %add3A_82 = vector.broadcast %add3A_81 : i32 to vector<16xi32>
          %add3A_83 = arith.addi %add3A_82, %iota3A : vector<16xi32>
          %shift_left3A = arith.constant 13 : i32
          %shift_left3A_84 = vector.broadcast %shift_left3A : i32 to vector<16xi32>
          %shift_left3A_85 = arith.shli %add3A_83, %shift_left3A_84 : vector<16xi32>
          %shift_right_logical3A = arith.constant 19 : i32
          %shift_right_logical3A_86 = vector.broadcast %shift_right_logical3A : i32 to vector<16xi32>
          %shift_right_logical3A_87 = arith.shrui %add3A_83, %shift_right_logical3A_86 : vector<16xi32>
          %or3A = arith.ori %shift_left3A_85, %shift_right_logical3A_87 : vector<16xi32>
          %xor3A = arith.xori %or3A, %add3A_83 : vector<16xi32>
          %add3A_88 = arith.addi %add3A_83, %xor3A : vector<16xi32>
          %shift_left3A_89 = arith.constant 15 : i32
          %shift_left3A_90 = vector.broadcast %shift_left3A_89 : i32 to vector<16xi32>
          %shift_left3A_91 = arith.shli %xor3A, %shift_left3A_90 : vector<16xi32>
          %shift_right_logical3A_92 = arith.constant 17 : i32
          %shift_right_logical3A_93 = vector.broadcast %shift_right_logical3A_92 : i32 to vector<16xi32>
          %shift_right_logical3A_94 = arith.shrui %xor3A, %shift_right_logical3A_93 : vector<16xi32>
          %or3A_95 = arith.ori %shift_left3A_91, %shift_right_logical3A_94 : vector<16xi32>
          %xor3A_96 = arith.xori %or3A_95, %add3A_88 : vector<16xi32>
          %add3A_97 = arith.addi %add3A_88, %xor3A_96 : vector<16xi32>
          %shift_left3A_98 = arith.constant 26 : i32
          %shift_left3A_99 = vector.broadcast %shift_left3A_98 : i32 to vector<16xi32>
          %shift_left3A_100 = arith.shli %xor3A_96, %shift_left3A_99 : vector<16xi32>
          %shift_right_logical3A_101 = arith.constant 6 : i32
          %shift_right_logical3A_102 = vector.broadcast %shift_right_logical3A_101 : i32 to vector<16xi32>
          %shift_right_logical3A_103 = arith.shrui %xor3A_96, %shift_right_logical3A_102 : vector<16xi32>
          %or3A_104 = arith.ori %shift_left3A_100, %shift_right_logical3A_103 : vector<16xi32>
          %xor3A_105 = arith.xori %or3A_104, %add3A_97 : vector<16xi32>
          %add3A_106 = arith.addi %add3A_97, %xor3A_105 : vector<16xi32>
          %shift_left3A_107 = arith.constant 6 : i32
          %shift_left3A_108 = vector.broadcast %shift_left3A_107 : i32 to vector<16xi32>
          %shift_left3A_109 = arith.shli %xor3A_105, %shift_left3A_108 : vector<16xi32>
          %shift_right_logical3A_110 = arith.constant 26 : i32
          %shift_right_logical3A_111 = vector.broadcast %shift_right_logical3A_110 : i32 to vector<16xi32>
          %shift_right_logical3A_112 = arith.shrui %xor3A_105, %shift_right_logical3A_111 : vector<16xi32>
          %or3A_113 = arith.ori %shift_left3A_109, %shift_right_logical3A_112 : vector<16xi32>
          %xor3A_114 = arith.xori %or3A_113, %add3A_106 : vector<16xi32>
          %add3A_115 = arith.constant 42 : i32
          %add3A_116 = vector.broadcast %add3A_115 : i32 to vector<16xi32>
          %add3A_117 = arith.addi %add3A_106, %add3A_116 : vector<16xi32>
          %add3A_118 = arith.constant 466689009 : i32
          %add3A_119 = vector.broadcast %add3A_118 : i32 to vector<16xi32>
          %add3A_120 = arith.addi %xor3A_114, %add3A_119 : vector<16xi32>
          %add3A_121 = arith.addi %add3A_117, %add3A_120 : vector<16xi32>
          %shift_left3A_122 = arith.constant 17 : i32
          %shift_left3A_123 = vector.broadcast %shift_left3A_122 : i32 to vector<16xi32>
          %shift_left3A_124 = arith.shli %add3A_120, %shift_left3A_123 : vector<16xi32>
          %shift_right_logical3A_125 = arith.constant 15 : i32
          %shift_right_logical3A_126 = vector.broadcast %shift_right_logical3A_125 : i32 to vector<16xi32>
          %shift_right_logical3A_127 = arith.shrui %add3A_120, %shift_right_logical3A_126 : vector<16xi32>
          %or3A_128 = arith.ori %shift_left3A_124, %shift_right_logical3A_127 : vector<16xi32>
          %xor3A_129 = arith.xori %or3A_128, %add3A_121 : vector<16xi32>
          %add3A_130 = arith.addi %add3A_121, %xor3A_129 : vector<16xi32>
          %shift_left3A_131 = arith.constant 29 : i32
          %shift_left3A_132 = vector.broadcast %shift_left3A_131 : i32 to vector<16xi32>
          %shift_left3A_133 = arith.shli %xor3A_129, %shift_left3A_132 : vector<16xi32>
          %shift_right_logical3A_134 = arith.constant 3 : i32
          %shift_right_logical3A_135 = vector.broadcast %shift_right_logical3A_134 : i32 to vector<16xi32>
          %shift_right_logical3A_136 = arith.shrui %xor3A_129, %shift_right_logical3A_135 : vector<16xi32>
          %or3A_137 = arith.ori %shift_left3A_133, %shift_right_logical3A_136 : vector<16xi32>
          %xor3A_138 = arith.xori %or3A_137, %add3A_130 : vector<16xi32>
          %add3A_139 = arith.addi %add3A_130, %xor3A_138 : vector<16xi32>
          %shift_left3A_140 = arith.constant 16 : i32
          %shift_left3A_141 = vector.broadcast %shift_left3A_140 : i32 to vector<16xi32>
          %shift_left3A_142 = arith.shli %xor3A_138, %shift_left3A_141 : vector<16xi32>
          %shift_right_logical3A_143 = arith.constant 16 : i32
          %shift_right_logical3A_144 = vector.broadcast %shift_right_logical3A_143 : i32 to vector<16xi32>
          %shift_right_logical3A_145 = arith.shrui %xor3A_138, %shift_right_logical3A_144 : vector<16xi32>
          %or3A_146 = arith.ori %shift_left3A_142, %shift_right_logical3A_145 : vector<16xi32>
          %xor3A_147 = arith.xori %or3A_146, %add3A_139 : vector<16xi32>
          %add3A_148 = arith.addi %add3A_139, %xor3A_147 : vector<16xi32>
          %shift_left3A_149 = arith.constant 24 : i32
          %shift_left3A_150 = vector.broadcast %shift_left3A_149 : i32 to vector<16xi32>
          %shift_left3A_151 = arith.shli %xor3A_147, %shift_left3A_150 : vector<16xi32>
          %shift_right_logical3A_152 = arith.constant 8 : i32
          %shift_right_logical3A_153 = vector.broadcast %shift_right_logical3A_152 : i32 to vector<16xi32>
          %shift_right_logical3A_154 = arith.shrui %xor3A_147, %shift_right_logical3A_153 : vector<16xi32>
          %or3A_155 = arith.ori %shift_left3A_151, %shift_right_logical3A_154 : vector<16xi32>
          %xor3A_156 = arith.xori %or3A_155, %add3A_148 : vector<16xi32>
          %add3A_157 = arith.constant 466689008 : i32
          %add3A_158 = vector.broadcast %add3A_157 : i32 to vector<16xi32>
          %add3A_159 = arith.addi %add3A_148, %add3A_158 : vector<16xi32>
          %add3A_160 = arith.constant 2 : i32
          %add3A_161 = vector.broadcast %add3A_160 : i32 to vector<16xi32>
          %add3A_162 = arith.addi %xor3A_156, %add3A_161 : vector<16xi32>
          %add3A_163 = arith.addi %add3A_159, %add3A_162 : vector<16xi32>
          %shift_left3A_164 = arith.constant 13 : i32
          %shift_left3A_165 = vector.broadcast %shift_left3A_164 : i32 to vector<16xi32>
          %shift_left3A_166 = arith.shli %add3A_162, %shift_left3A_165 : vector<16xi32>
          %shift_right_logical3A_167 = arith.constant 19 : i32
          %shift_right_logical3A_168 = vector.broadcast %shift_right_logical3A_167 : i32 to vector<16xi32>
          %shift_right_logical3A_169 = arith.shrui %add3A_162, %shift_right_logical3A_168 : vector<16xi32>
          %or3A_170 = arith.ori %shift_left3A_166, %shift_right_logical3A_169 : vector<16xi32>
          %xor3A_171 = arith.xori %or3A_170, %add3A_163 : vector<16xi32>
          %add3A_172 = arith.addi %add3A_163, %xor3A_171 : vector<16xi32>
          %shift_left3A_173 = arith.constant 15 : i32
          %shift_left3A_174 = vector.broadcast %shift_left3A_173 : i32 to vector<16xi32>
          %shift_left3A_175 = arith.shli %xor3A_171, %shift_left3A_174 : vector<16xi32>
          %shift_right_logical3A_176 = arith.constant 17 : i32
          %shift_right_logical3A_177 = vector.broadcast %shift_right_logical3A_176 : i32 to vector<16xi32>
          %shift_right_logical3A_178 = arith.shrui %xor3A_171, %shift_right_logical3A_177 : vector<16xi32>
          %or3A_179 = arith.ori %shift_left3A_175, %shift_right_logical3A_178 : vector<16xi32>
          %xor3A_180 = arith.xori %or3A_179, %add3A_172 : vector<16xi32>
          %add3A_181 = arith.addi %add3A_172, %xor3A_180 : vector<16xi32>
          %shift_left3A_182 = arith.constant 26 : i32
          %shift_left3A_183 = vector.broadcast %shift_left3A_182 : i32 to vector<16xi32>
          %shift_left3A_184 = arith.shli %xor3A_180, %shift_left3A_183 : vector<16xi32>
          %shift_right_logical3A_185 = arith.constant 6 : i32
          %shift_right_logical3A_186 = vector.broadcast %shift_right_logical3A_185 : i32 to vector<16xi32>
          %shift_right_logical3A_187 = arith.shrui %xor3A_180, %shift_right_logical3A_186 : vector<16xi32>
          %or3A_188 = arith.ori %shift_left3A_184, %shift_right_logical3A_187 : vector<16xi32>
          %xor3A_189 = arith.xori %or3A_188, %add3A_181 : vector<16xi32>
          %add3A_190 = arith.addi %add3A_181, %xor3A_189 : vector<16xi32>
          %shift_left3A_191 = arith.constant 6 : i32
          %shift_left3A_192 = vector.broadcast %shift_left3A_191 : i32 to vector<16xi32>
          %shift_left3A_193 = arith.shli %xor3A_189, %shift_left3A_192 : vector<16xi32>
          %shift_right_logical3A_194 = arith.constant 26 : i32
          %shift_right_logical3A_195 = vector.broadcast %shift_right_logical3A_194 : i32 to vector<16xi32>
          %shift_right_logical3A_196 = arith.shrui %xor3A_189, %shift_right_logical3A_195 : vector<16xi32>
          %or3A_197 = arith.ori %shift_left3A_193, %shift_right_logical3A_196 : vector<16xi32>
          %xor3A_198 = arith.xori %or3A_197, %add3A_190 : vector<16xi32>
          %add3A_199 = arith.constant 45 : i32
          %add3A_200 = vector.broadcast %add3A_199 : i32 to vector<16xi32>
          %add3A_201 = arith.addi %xor3A_198, %add3A_200 : vector<16xi32>
          %add3A_202 = arith.addi %add3A_190, %add3A_201 : vector<16xi32>
          %shift_left3A_203 = arith.constant 17 : i32
          %shift_left3A_204 = vector.broadcast %shift_left3A_203 : i32 to vector<16xi32>
          %shift_left3A_205 = arith.shli %add3A_201, %shift_left3A_204 : vector<16xi32>
          %shift_right_logical3A_206 = arith.constant 15 : i32
          %shift_right_logical3A_207 = vector.broadcast %shift_right_logical3A_206 : i32 to vector<16xi32>
          %shift_right_logical3A_208 = arith.shrui %add3A_201, %shift_right_logical3A_207 : vector<16xi32>
          %or3A_209 = arith.ori %shift_left3A_205, %shift_right_logical3A_208 : vector<16xi32>
          %xor3A_210 = arith.xori %or3A_209, %add3A_202 : vector<16xi32>
          %add3A_211 = arith.addi %add3A_202, %xor3A_210 : vector<16xi32>
          %shift_left3A_212 = arith.constant 29 : i32
          %shift_left3A_213 = vector.broadcast %shift_left3A_212 : i32 to vector<16xi32>
          %shift_left3A_214 = arith.shli %xor3A_210, %shift_left3A_213 : vector<16xi32>
          %shift_right_logical3A_215 = arith.constant 3 : i32
          %shift_right_logical3A_216 = vector.broadcast %shift_right_logical3A_215 : i32 to vector<16xi32>
          %shift_right_logical3A_217 = arith.shrui %xor3A_210, %shift_right_logical3A_216 : vector<16xi32>
          %or3A_218 = arith.ori %shift_left3A_214, %shift_right_logical3A_217 : vector<16xi32>
          %xor3A_219 = arith.xori %or3A_218, %add3A_211 : vector<16xi32>
          %add3A_220 = arith.addi %add3A_211, %xor3A_219 : vector<16xi32>
          %shift_left3A_221 = arith.constant 16 : i32
          %shift_left3A_222 = vector.broadcast %shift_left3A_221 : i32 to vector<16xi32>
          %shift_left3A_223 = arith.shli %xor3A_219, %shift_left3A_222 : vector<16xi32>
          %shift_right_logical3A_224 = arith.constant 16 : i32
          %shift_right_logical3A_225 = vector.broadcast %shift_right_logical3A_224 : i32 to vector<16xi32>
          %shift_right_logical3A_226 = arith.shrui %xor3A_219, %shift_right_logical3A_225 : vector<16xi32>
          %or3A_227 = arith.ori %shift_left3A_223, %shift_right_logical3A_226 : vector<16xi32>
          %xor3A_228 = arith.xori %or3A_227, %add3A_220 : vector<16xi32>
          %add3A_229 = arith.addi %add3A_220, %xor3A_228 : vector<16xi32>
          %shift_left3A_230 = arith.constant 24 : i32
          %shift_left3A_231 = vector.broadcast %shift_left3A_230 : i32 to vector<16xi32>
          %shift_left3A_232 = arith.shli %xor3A_228, %shift_left3A_231 : vector<16xi32>
          %shift_right_logical3A_233 = arith.constant 8 : i32
          %shift_right_logical3A_234 = vector.broadcast %shift_right_logical3A_233 : i32 to vector<16xi32>
          %shift_right_logical3A_235 = arith.shrui %xor3A_228, %shift_right_logical3A_234 : vector<16xi32>
          %or3A_236 = arith.ori %shift_left3A_232, %shift_right_logical3A_235 : vector<16xi32>
          %xor3A_237 = arith.xori %or3A_236, %add3A_229 : vector<16xi32>
          %add3A_238 = arith.constant 42 : i32
          %add3A_239 = vector.broadcast %add3A_238 : i32 to vector<16xi32>
          %add3A_240 = arith.addi %add3A_229, %add3A_239 : vector<16xi32>
          %add3A_241 = arith.constant 466689012 : i32
          %add3A_242 = vector.broadcast %add3A_241 : i32 to vector<16xi32>
          %add3A_243 = arith.addi %xor3A_237, %add3A_242 : vector<16xi32>
          %add3A_244 = arith.addi %add3A_240, %add3A_243 : vector<16xi32>
          %shift_left3A_245 = arith.constant 13 : i32
          %shift_left3A_246 = vector.broadcast %shift_left3A_245 : i32 to vector<16xi32>
          %shift_left3A_247 = arith.shli %add3A_243, %shift_left3A_246 : vector<16xi32>
          %shift_right_logical3A_248 = arith.constant 19 : i32
          %shift_right_logical3A_249 = vector.broadcast %shift_right_logical3A_248 : i32 to vector<16xi32>
          %shift_right_logical3A_250 = arith.shrui %add3A_243, %shift_right_logical3A_249 : vector<16xi32>
          %or3A_251 = arith.ori %shift_left3A_247, %shift_right_logical3A_250 : vector<16xi32>
          %xor3A_252 = arith.xori %or3A_251, %add3A_244 : vector<16xi32>
          %add3A_253 = arith.addi %add3A_244, %xor3A_252 : vector<16xi32>
          %shift_left3A_254 = arith.constant 15 : i32
          %shift_left3A_255 = vector.broadcast %shift_left3A_254 : i32 to vector<16xi32>
          %shift_left3A_256 = arith.shli %xor3A_252, %shift_left3A_255 : vector<16xi32>
          %shift_right_logical3A_257 = arith.constant 17 : i32
          %shift_right_logical3A_258 = vector.broadcast %shift_right_logical3A_257 : i32 to vector<16xi32>
          %shift_right_logical3A_259 = arith.shrui %xor3A_252, %shift_right_logical3A_258 : vector<16xi32>
          %or3A_260 = arith.ori %shift_left3A_256, %shift_right_logical3A_259 : vector<16xi32>
          %xor3A_261 = arith.xori %or3A_260, %add3A_253 : vector<16xi32>
          %add3A_262 = arith.addi %add3A_253, %xor3A_261 : vector<16xi32>
          %shift_left3A_263 = arith.constant 26 : i32
          %shift_left3A_264 = vector.broadcast %shift_left3A_263 : i32 to vector<16xi32>
          %shift_left3A_265 = arith.shli %xor3A_261, %shift_left3A_264 : vector<16xi32>
          %shift_right_logical3A_266 = arith.constant 6 : i32
          %shift_right_logical3A_267 = vector.broadcast %shift_right_logical3A_266 : i32 to vector<16xi32>
          %shift_right_logical3A_268 = arith.shrui %xor3A_261, %shift_right_logical3A_267 : vector<16xi32>
          %or3A_269 = arith.ori %shift_left3A_265, %shift_right_logical3A_268 : vector<16xi32>
          %xor3A_270 = arith.xori %or3A_269, %add3A_262 : vector<16xi32>
          %add3A_271 = arith.addi %add3A_262, %xor3A_270 : vector<16xi32>
          %shift_left3A_272 = arith.constant 6 : i32
          %shift_left3A_273 = vector.broadcast %shift_left3A_272 : i32 to vector<16xi32>
          %shift_left3A_274 = arith.shli %xor3A_270, %shift_left3A_273 : vector<16xi32>
          %shift_right_logical3A_275 = arith.constant 26 : i32
          %shift_right_logical3A_276 = vector.broadcast %shift_right_logical3A_275 : i32 to vector<16xi32>
          %shift_right_logical3A_277 = arith.shrui %xor3A_270, %shift_right_logical3A_276 : vector<16xi32>
          %or3A_278 = arith.ori %shift_left3A_274, %shift_right_logical3A_277 : vector<16xi32>
          %xor3A_279 = arith.xori %or3A_278, %add3A_271 : vector<16xi32>
          %add3A_280 = arith.constant 466689008 : i32
          %add3A_281 = vector.broadcast %add3A_280 : i32 to vector<16xi32>
          %add3A_282 = arith.addi %add3A_271, %add3A_281 : vector<16xi32>
          %add3A_283 = arith.constant 5 : i32
          %add3A_284 = vector.broadcast %add3A_283 : i32 to vector<16xi32>
          %add3A_285 = arith.addi %xor3A_279, %add3A_284 : vector<16xi32>
          %xor3A_286 = arith.xori %add3A_282, %add3A_285 : vector<16xi32>
          %shift_right_logical3A_287 = arith.constant 9 : i32
          %shift_right_logical3A_288 = vector.broadcast %shift_right_logical3A_287 : i32 to vector<16xi32>
          %shift_right_logical3A_289 = arith.shrui %xor3A_286, %shift_right_logical3A_288 : vector<16xi32>
          %or3A_290 = arith.constant 1065353216 : i32
          %or3A_291 = vector.broadcast %or3A_290 : i32 to vector<16xi32>
          %or3A_292 = arith.ori %shift_right_logical3A_289, %or3A_291 : vector<16xi32>
          %bitcast_convert_type3A = tpu.bitcast %or3A_292 : vector<16xi32> -> vector<16xf32>
          %sub3A = arith.constant 1.000000e+00 : f32
          %sub3A_293 = vector.broadcast %sub3A : f32 to vector<16xf32>
          %sub3A_294 = arith.subf %bitcast_convert_type3A, %sub3A_293 : vector<16xf32>
          %add3A_295 = arith.constant 1.17549435E-38 : f32
          %add3A_296 = vector.broadcast %add3A_295 : f32 to vector<16xf32>
          %add3A_297 = arith.addf %sub3A_294, %add3A_296 : vector<16xf32>
          %mul3A_298 = arith.constant 16 : i32
          %mul3A_299 = arith.muli %add3A_78, %mul3A_298 : i32
          %swap3A = arith.index_cast %rem3A_52 : i32 to index
          %swap3A_300 = arith.index_cast %mul3A_299 : i32 to index
          %swap3A_301 = tpu.vector_load %arg3[%swap3A, %swap3A_300] {strides = array<i32>} : memref<2x2048xf32, #tpu.memory_space<vmem>>, vector<1x16xf32>,
          %swap3A_302 = vector.shape_cast %swap3A_301 : vector<1x16xf32> to vector<16xf32>
          %swap3A_303 = vector.shape_cast %add3A_297 : vector<16xf32> to vector<1x16xf32>
          tpu.vector_store %arg3[%swap3A, %swap3A_300], %swap3A_303 {strides = array<i32>} : memref<2x2048xf32, #tpu.memory_space<vmem>>, vector<1x16xf32>,
        }
        %scan3A_62 = arith.constant 128 : i32
        %mul3A_63 = arith.constant 2048 : i32
        %mul3A_64 = arith.muli %add3A_51, %mul3A_63 : i32
        %dma_start3A = arith.constant 0 : i32
        %dma_start3A_65 = tpu.memref_slice %arg3[%rem3A_52, %dma_start3A] : memref<2x2048xf32, #tpu.memory_space<vmem>> -> memref<1x2048xf32, #tpu.memory_space<vmem>>
        %dma_start3A_66 = tpu.memref_squeeze %dma_start3A_65 : memref<1x2048xf32, #tpu.memory_space<vmem>> -> memref<2048xf32, #tpu.memory_space<vmem>>
        %dma_start3A_67 = tpu.memref_slice %arg2[%add3A_12, %mul3A_64] : memref<64x292864xf32, #tpu.memory_space<hbm>> -> memref<1x2048xf32, #tpu.memory_space<hbm>>
        %dma_start3A_68 = tpu.memref_squeeze %dma_start3A_67 : memref<1x2048xf32, #tpu.memory_space<hbm>> -> memref<2048xf32, #tpu.memory_space<hbm>>
        %dma_start3A_69 = tpu.memref_slice %arg2[%add3A_12, %mul3A_64] : memref<64x292864xf32, #tpu.memory_space<hbm>> -> memref<1x2048xf32, #tpu.memory_space<hbm>>
        %dma_start3A_70 = tpu.memref_squeeze %dma_start3A_69 : memref<1x2048xf32, #tpu.memory_space<hbm>> -> memref<2048xf32, #tpu.memory_space<hbm>>
        %dma_start3A_71 = arith.constant 0 : i32
        %dma_start3A_72 = tpu.memref_slice %arg3[%rem3A_52, %dma_start3A_71] : memref<2x2048xf32, #tpu.memory_space<vmem>> -> memref<1x2048xf32, #tpu.memory_space<vmem>>
        %dma_start3A_73 = tpu.memref_squeeze %dma_start3A_72 : memref<1x2048xf32, #tpu.memory_space<vmem>> -> memref<2048xf32, #tpu.memory_space<vmem>>
        tpu.enqueue_dma source(%dma_start3A_73 : memref<2048xf32, #tpu.memory_space<vmem>>) target(%dma_start3A_70 : memref<2048xf32, #tpu.memory_space<hbm>>) target_semaphore(%arg4 : memref<!tpu.dma_semaphore, #tpu.memory_space<semaphore_mem>>)
      }
      %scan3A_21 = arith.constant 143 : i32
      %dma_wait3A = arith.constant 0 : i32
      %dma_wait3A_22 = arith.constant 0 : i32
      %dma_wait3A_23 = tpu.memref_slice %arg3[%dma_wait3A, %dma_wait3A_22] : memref<2x2048xf32, #tpu.memory_space<vmem>> -> memref<1x2048xf32, #tpu.memory_space<vmem>>
      %dma_wait3A_24 = tpu.memref_squeeze %dma_wait3A_23 : memref<1x2048xf32, #tpu.memory_space<vmem>> -> memref<2048xf32, #tpu.memory_space<vmem>>
      %dma_wait3A_25 = arith.constant 0 : i32
      %dma_wait3A_26 = tpu.memref_slice %arg2[%add3A_12, %dma_wait3A_25] : memref<64x292864xf32, #tpu.memory_space<hbm>> -> memref<1x2048xf32, #tpu.memory_space<hbm>>
      %dma_wait3A_27 = tpu.memref_squeeze %dma_wait3A_26 : memref<1x2048xf32, #tpu.memory_space<hbm>> -> memref<2048xf32, #tpu.memory_space<hbm>>
      %dma_wait3A_28 = arith.constant 0 : i32
      %dma_wait3A_29 = tpu.memref_slice %arg2[%add3A_12, %dma_wait3A_28] : memref<64x292864xf32, #tpu.memory_space<hbm>> -> memref<1x2048xf32, #tpu.memory_space<hbm>>
      %dma_wait3A_30 = tpu.memref_squeeze %dma_wait3A_29 : memref<1x2048xf32, #tpu.memory_space<hbm>> -> memref<2048xf32, #tpu.memory_space<hbm>>
      %dma_wait3A_31 = arith.constant 0 : i32
      %dma_wait3A_32 = tpu.memref_slice %arg3[%dma_wait3A, %dma_wait3A_31] : memref<2x2048xf32, #tpu.memory_space<vmem>> -> memref<1x2048xf32, #tpu.memory_space<vmem>>
      %dma_wait3A_33 = tpu.memref_squeeze %dma_wait3A_32 : memref<1x2048xf32, #tpu.memory_space<vmem>> -> memref<2048xf32, #tpu.memory_space<vmem>>
      tpu.wait_dma2 semaphore(%arg4 : memref<!tpu.dma_semaphore, #tpu.memory_space<semaphore_mem>>) src(%dma_wait3A_33 : memref<2048xf32, #tpu.memory_space<vmem>>) dst(%dma_wait3A_30 : memref<2048xf32, #tpu.memory_space<hbm>>)
      %dma_wait3A_34 = arith.constant 0 : i32
      %dma_wait3A_35 = arith.constant 0 : i32
      %dma_wait3A_36 = tpu.memref_slice %arg3[%dma_wait3A_34, %dma_wait3A_35] : memref<2x2048xf32, #tpu.memory_space<vmem>> -> memref<1x2048xf32, #tpu.memory_space<vmem>>
      %dma_wait3A_37 = tpu.memref_squeeze %dma_wait3A_36 : memref<1x2048xf32, #tpu.memory_space<vmem>> -> memref<2048xf32, #tpu.memory_space<vmem>>
      %dma_wait3A_38 = arith.constant 0 : i32
      %dma_wait3A_39 = tpu.memref_slice %arg2[%add3A_12, %dma_wait3A_38] : memref<64x292864xf32, #tpu.memory_space<hbm>> -> memref<1x2048xf32, #tpu.memory_space<hbm>>
      %dma_wait3A_40 = tpu.memref_squeeze %dma_wait3A_39 : memref<1x2048xf32, #tpu.memory_space<hbm>> -> memref<2048xf32, #tpu.memory_space<hbm>>
      %dma_wait3A_41 = arith.constant 0 : i32
      %dma_wait3A_42 = tpu.memref_slice %arg2[%add3A_12, %dma_wait3A_41] : memref<64x292864xf32, #tpu.memory_space<hbm>> -> memref<1x2048xf32, #tpu.memory_space<hbm>>
      %dma_wait3A_43 = tpu.memref_squeeze %dma_wait3A_42 : memref<1x2048xf32, #tpu.memory_space<hbm>> -> memref<2048xf32, #tpu.memory_space<hbm>>
      %dma_wait3A_44 = arith.constant 0 : i32
      %dma_wait3A_45 = tpu.memref_slice %arg3[%dma_wait3A_34, %dma_wait3A_44] : memref<2x2048xf32, #tpu.memory_space<vmem>> -> memref<1x2048xf32, #tpu.memory_space<vmem>>
      %dma_wait3A_46 = tpu.memref_squeeze %dma_wait3A_45 : memref<1x2048xf32, #tpu.memory_space<vmem>> -> memref<2048xf32, #tpu.memory_space<vmem>>
      tpu.wait_dma2 semaphore(%arg4 : memref<!tpu.dma_semaphore, #tpu.memory_space<semaphore_mem>>) src(%dma_wait3A_46 : memref<2048xf32, #tpu.memory_space<vmem>>) dst(%dma_wait3A_43 : memref<2048xf32, #tpu.memory_space<hbm>>)
    }
    %scan3A_4 = arith.constant 2 : i32
    return
  }
}

module attributes {stable_mosaic.version = 14 : i64} {
  func.func @_tail_kernel(%arg0: i32, %arg1: memref<64x2048xf32, #tpu.memory_space<vmem>>, %arg2: memref<64x2048xf32, #tpu.memory_space<vmem>>, %arg3: memref<64x1xf32, #tpu.memory_space<vmem>>, %arg4: memref<64x1xi32, #tpu.memory_space<vmem>>, %arg5: memref<64x1xi32, #tpu.memory_space<vmem>>, %arg6: memref<64x1xf32, #tpu.memory_space<vmem>>, %arg7: memref<64x1xi32, #tpu.memory_space<vmem>>) attributes {dimension_semantics = [#tpu.dimension_semantics<arbitrary>], iteration_bounds = array<i64: 143>, scalar_prefetch = 0 : i64, scratch_operands = 2 : i64, tpu.core_type = #tpu.core_type<tc>, window_params = [{transform_indices = @transform_0, window_bounds = array<i64: 64, 2048>}, {transform_indices = @transform_1, window_bounds = array<i64: 64, 2048>}, {pipeline_mode = #tpu.pipeline_mode<synchronous>, transform_indices = @transform_2, window_bounds = array<i64: 64, 1>}, {pipeline_mode = #tpu.pipeline_mode<synchronous>, transform_indices = @transform_3, window_bounds = array<i64: 64, 1>}, {pipeline_mode = #tpu.pipeline_mode<synchronous>, transform_indices = @transform_4, window_bounds = array<i64: 64, 1>}]} {
    %eq3A = arith.constant 0 : i32
    %eq3A_0 = arith.cmpi eq, %arg0, %eq3A : i32
    %convert_element_type3A = arith.extui %eq3A_0 : i1 to i32
    %cond3A = arith.constant 0 : i32
    %cond3A_1 = arith.cmpi ne, %convert_element_type3A, %cond3A : i32
    scf.if %cond3A_1 {
      %get3A_50 = arith.constant 0 : index
      %get3A_51 = arith.constant 0 : index
      %get3A_52 = vector.load %arg3[%get3A_50, %get3A_51] : memref<64x1xf32, #tpu.memory_space<vmem>>, vector<64x1xf32>
      %swap3A_53 = arith.constant 0 : index
      %swap3A_54 = arith.constant 0 : index
      %swap3A_55 = vector.load %arg6[%swap3A_53, %swap3A_54] : memref<64x1xf32, #tpu.memory_space<vmem>>, vector<64x1xf32>
      tpu.vector_store %arg6[%swap3A_53, %swap3A_54], %get3A_52 {strides = array<i32>} : memref<64x1xf32, #tpu.memory_space<vmem>>, vector<64x1xf32>,
      %get3A_56 = arith.constant 0 : index
      %get3A_57 = arith.constant 0 : index
      %get3A_58 = vector.load %arg4[%get3A_56, %get3A_57] : memref<64x1xi32, #tpu.memory_space<vmem>>, vector<64x1xi32>
      %swap3A_59 = arith.constant 0 : index
      %swap3A_60 = arith.constant 0 : index
      %swap3A_61 = vector.load %arg7[%swap3A_59, %swap3A_60] : memref<64x1xi32, #tpu.memory_space<vmem>>, vector<64x1xi32>
      tpu.vector_store %arg7[%swap3A_59, %swap3A_60], %get3A_58 {strides = array<i32>} : memref<64x1xi32, #tpu.memory_space<vmem>>, vector<64x1xi32>,
    } else {
    }
    %mul3A = arith.constant 2048 : i32
    %mul3A_2 = arith.muli %arg0, %mul3A : i32
    %add3A = arith.constant 708608 : i32
    %add3A_3 = arith.addi %add3A, %mul3A_2 : i32
    %get3A = arith.constant 0 : index
    %get3A_4 = arith.constant 0 : index
    %get3A_5 = vector.load %arg1[%get3A, %get3A_4] : memref<64x2048xf32, #tpu.memory_space<vmem>>, vector<64x2048xf32>
    %log3A = math.log %get3A_5 : vector<64x2048xf32>
    %neg3A = arith.constant 0.000000e+00 : f32
    %neg3A_6 = vector.broadcast %neg3A : f32 to vector<64x2048xf32>
    %neg3A_7 = arith.subf %neg3A_6, %log3A : vector<64x2048xf32>
    %log3A_8 = math.log %neg3A_7 : vector<64x2048xf32>
    %neg3A_9 = arith.constant 0.000000e+00 : f32
    %neg3A_10 = vector.broadcast %neg3A_9 : f32 to vector<64x2048xf32>
    %neg3A_11 = arith.subf %neg3A_10, %log3A_8 : vector<64x2048xf32>
    %get3A_12 = arith.constant 0 : index
    %get3A_13 = arith.constant 0 : index
    %get3A_14 = vector.load %arg2[%get3A_12, %get3A_13] : memref<64x2048xf32, #tpu.memory_space<vmem>>, vector<64x2048xf32>
    %add3A_15 = arith.addf %neg3A_11, %get3A_14 : vector<64x2048xf32>
    %iota3A = tpu.iota {dimensions = array<i32: 1>} : vector<64x2048xi32>
    %sub3A = arith.constant 1000000 : i32
    %sub3A_16 = arith.subi %sub3A, %add3A_3 : i32
    %lt3A = vector.broadcast %sub3A_16 : i32 to vector<64x2048xi32>
    %lt3A_17 = arith.cmpi slt, %iota3A, %lt3A : vector<64x2048xi32>
    %jit3A = arith.constant 0xFF800000 : f32
    %broadcast_in_dim3A = vector.broadcast %jit3A : f32 to vector<64x2048xf32>
    %select_n3A = arith.select %lt3A_17, %add3A_15, %broadcast_in_dim3A : vector<64x2048xi1>, vector<64x2048xf32>
    %reduce_max3A = arith.constant dense<0xFF800000> : vector<64xf32>
    %reduce_max3A_18 = vector.multi_reduction <maximumf>, %select_n3A, %reduce_max3A [1] : vector<64x2048xf32> to vector<64xf32>
    %broadcast_in_dim3A_19 = vector.shape_cast %reduce_max3A_18 : vector<64xf32> to vector<64x1xf32>
    %eq3A_20 = vector.broadcast %broadcast_in_dim3A_19 : vector<64x1xf32> to vector<64x2048xf32>
    %eq3A_21 = arith.cmpf oeq, %select_n3A, %eq3A_20 : vector<64x2048xf32>
    %jit3A_22 = arith.constant 2147483647 : i32
    %broadcast_in_dim3A_23 = vector.broadcast %jit3A_22 : i32 to vector<64x2048xi32>
    %select_n3A_24 = arith.select %eq3A_21, %iota3A, %broadcast_in_dim3A_23 : vector<64x2048xi1>, vector<64x2048xi32>
    %reduce_min3A = arith.constant dense<2147483647> : vector<64xi32>
    %reduce_min3A_25 = vector.multi_reduction <minsi>, %select_n3A_24, %reduce_min3A [1] : vector<64x2048xi32> to vector<64xi32>
    %broadcast_in_dim3A_26 = vector.shape_cast %reduce_min3A_25 : vector<64xi32> to vector<64x1xi32>
    %add3A_27 = vector.broadcast %add3A_3 : i32 to vector<64x1xi32>
    %add3A_28 = arith.addi %add3A_27, %broadcast_in_dim3A_26 : vector<64x1xi32>
    %get3A_29 = arith.constant 0 : index
    %get3A_30 = arith.constant 0 : index
    %get3A_31 = vector.load %arg6[%get3A_29, %get3A_30] : memref<64x1xf32, #tpu.memory_space<vmem>>, vector<64x1xf32>
    %gt3A = arith.cmpf ogt, %broadcast_in_dim3A_19, %get3A_31 : vector<64x1xf32>
    %get3A_32 = arith.constant 0 : index
    %get3A_33 = arith.constant 0 : index
    %get3A_34 = vector.load %arg6[%get3A_32, %get3A_33] : memref<64x1xf32, #tpu.memory_space<vmem>>, vector<64x1xf32>
    %select_n3A_35 = arith.select %gt3A, %broadcast_in_dim3A_19, %get3A_34 : vector<64x1xi1>, vector<64x1xf32>
    %swap3A = arith.constant 0 : index
    %swap3A_36 = arith.constant 0 : index
    %swap3A_37 = vector.load %arg6[%swap3A, %swap3A_36] : memref<64x1xf32, #tpu.memory_space<vmem>>, vector<64x1xf32>
    tpu.vector_store %arg6[%swap3A, %swap3A_36], %select_n3A_35 {strides = array<i32>} : memref<64x1xf32, #tpu.memory_space<vmem>>, vector<64x1xf32>,
    %get3A_38 = arith.constant 0 : index
    %get3A_39 = arith.constant 0 : index
    %get3A_40 = vector.load %arg7[%get3A_38, %get3A_39] : memref<64x1xi32, #tpu.memory_space<vmem>>, vector<64x1xi32>
    %select_n3A_41 = arith.select %gt3A, %add3A_28, %get3A_40 : vector<64x1xi1>, vector<64x1xi32>
    %swap3A_42 = arith.constant 0 : index
    %swap3A_43 = arith.constant 0 : index
    %swap3A_44 = vector.load %arg7[%swap3A_42, %swap3A_43] : memref<64x1xi32, #tpu.memory_space<vmem>>, vector<64x1xi32>
    tpu.vector_store %arg7[%swap3A_42, %swap3A_43], %select_n3A_41 {strides = array<i32>} : memref<64x1xi32, #tpu.memory_space<vmem>>, vector<64x1xi32>,
    %eq3A_45 = arith.constant 142 : i32
    %eq3A_46 = arith.cmpi eq, %arg0, %eq3A_45 : i32
    %convert_element_type3A_47 = arith.extui %eq3A_46 : i1 to i32
    %cond3A_48 = arith.constant 0 : i32
    %cond3A_49 = arith.cmpi ne, %convert_element_type3A_47, %cond3A_48 : i32
    scf.if %cond3A_49 {
      %get3A_50 = arith.constant 0 : index
      %get3A_51 = arith.constant 0 : index
      %get3A_52 = vector.load %arg7[%get3A_50, %get3A_51] : memref<64x1xi32, #tpu.memory_space<vmem>>, vector<64x1xi32>
      %swap3A_53 = arith.constant 0 : index
      %swap3A_54 = arith.constant 0 : index
      %swap3A_55 = vector.load %arg5[%swap3A_53, %swap3A_54] : memref<64x1xi32, #tpu.memory_space<vmem>>, vector<64x1xi32>
      tpu.vector_store %arg5[%swap3A_53, %swap3A_54], %get3A_52 {strides = array<i32>} : memref<64x1xi32, #tpu.memory_space<vmem>>, vector<64x1xi32>,
    } else {
    }
    return
  }
  func.func @transform_0(%arg0: i32) -> (i32, i32) {
    %c0_i32 = arith.constant 0 : i32
    %c0_i32_0 = arith.constant 0 : i32
    return %c0_i32, %arg0 : i32, i32
  }
  func.func @transform_1(%arg0: i32) -> (i32, i32) {
    %add3A = arith.constant 346 : i32
    %add3A_0 = arith.addi %add3A, %arg0 : i32
    %c0_i32 = arith.constant 0 : i32
    %c0_i32_1 = arith.constant 0 : i32
    return %c0_i32, %add3A_0 : i32, i32
  }
  func.func @transform_2(%arg0: i32) -> (i32, i32) {
    %c0_i32 = arith.constant 0 : i32
    %c0_i32_0 = arith.constant 0 : i32
    %c0_i32_1 = arith.constant 0 : i32
    return %c0_i32, %c0_i32_0 : i32, i32
  }
  func.func @transform_3(%arg0: i32) -> (i32, i32) {
    %c0_i32 = arith.constant 0 : i32
    %c0_i32_0 = arith.constant 0 : i32
    %c0_i32_1 = arith.constant 0 : i32
    return %c0_i32, %c0_i32_0 : i32, i32
  }
  func.func @transform_4(%arg0: i32) -> (i32, i32) {
    %c0_i32 = arith.constant 0 : i32
    %c0_i32_0 = arith.constant 0 : i32
    %c0_i32_1 = arith.constant 0 : i32
    return %c0_i32, %c0_i32_0 : i32, i32
  }
}

module attributes {stable_mosaic.version = 14 : i64} {
  func.func @_main_kernel(%arg0: i32, %arg1: memref<64x2048xf32, #tpu.memory_space<vmem>>, %arg2: memref<64x1xf32, #tpu.memory_space<vmem>>, %arg3: memref<64x1xi32, #tpu.memory_space<vmem>>, %arg4: memref<64x1xf32, #tpu.memory_space<vmem>>, %arg5: memref<64x1xi32, #tpu.memory_space<vmem>>, %arg6: memref<64x2048xi32, #tpu.memory_space<vmem>>) attributes {dimension_semantics = [#tpu.dimension_semantics<arbitrary>], iteration_bounds = array<i64: 346>, scalar_prefetch = 0 : i64, scratch_operands = 3 : i64, tpu.core_type = #tpu.core_type<tc>, window_params = [{transform_indices = @transform_0, window_bounds = array<i64: 64, 2048>}, {pipeline_mode = #tpu.pipeline_mode<synchronous>, transform_indices = @transform_1, window_bounds = array<i64: 64, 1>}, {pipeline_mode = #tpu.pipeline_mode<synchronous>, transform_indices = @transform_2, window_bounds = array<i64: 64, 1>}]} {
    %eq3A = arith.constant 0 : i32
    %eq3A_0 = arith.cmpi eq, %arg0, %eq3A : i32
    %convert_element_type3A = arith.extui %eq3A_0 : i1 to i32
    %cond3A = arith.constant 0 : i32
    %cond3A_1 = arith.cmpi ne, %convert_element_type3A, %cond3A : i32
    scf.if %cond3A_1 {
      %broadcast_in_dim3A_265 = arith.constant 0xFF800000 : f32
      %broadcast_in_dim3A_266 = vector.broadcast %broadcast_in_dim3A_265 : f32 to vector<64x1xf32>
      %swap3A_267 = arith.constant 0 : index
      %swap3A_268 = arith.constant 0 : index
      %swap3A_269 = vector.load %arg4[%swap3A_267, %swap3A_268] : memref<64x1xf32, #tpu.memory_space<vmem>>, vector<64x1xf32>
      tpu.vector_store %arg4[%swap3A_267, %swap3A_268], %broadcast_in_dim3A_266 {strides = array<i32>} : memref<64x1xf32, #tpu.memory_space<vmem>>, vector<64x1xf32>,
      %broadcast_in_dim3A_270 = arith.constant 0 : i32
      %broadcast_in_dim3A_271 = vector.broadcast %broadcast_in_dim3A_270 : i32 to vector<64x1xi32>
      %swap3A_272 = arith.constant 0 : index
      %swap3A_273 = arith.constant 0 : index
      %swap3A_274 = vector.load %arg5[%swap3A_272, %swap3A_273] : memref<64x1xi32, #tpu.memory_space<vmem>>, vector<64x1xi32>
      tpu.vector_store %arg5[%swap3A_272, %swap3A_273], %broadcast_in_dim3A_271 {strides = array<i32>} : memref<64x1xi32, #tpu.memory_space<vmem>>, vector<64x1xi32>,
      %iota3A_275 = tpu.iota {dimensions = array<i32: 1>} : vector<64x2048xi32>
      %iota3A_276 = tpu.iota {dimensions = array<i32: 0>} : vector<64x2048xi32>
      %mul3A_277 = arith.constant 1000000 : i32
      %mul3A_278 = vector.broadcast %mul3A_277 : i32 to vector<64x2048xi32>
      %mul3A_279 = arith.muli %iota3A_276, %mul3A_278 : vector<64x2048xi32>
      %add3A_280 = arith.addi %mul3A_279, %iota3A_275 : vector<64x2048xi32>
      %add3A_281 = arith.constant 42 : i32
      %add3A_282 = vector.broadcast %add3A_281 : i32 to vector<64x2048xi32>
      %add3A_283 = arith.addi %add3A_280, %add3A_282 : vector<64x2048xi32>
      %swap3A_284 = arith.constant 0 : index
      %swap3A_285 = arith.constant 0 : index
      %swap3A_286 = vector.load %arg6[%swap3A_284, %swap3A_285] : memref<64x2048xi32, #tpu.memory_space<vmem>>, vector<64x2048xi32>
      tpu.vector_store %arg6[%swap3A_284, %swap3A_285], %add3A_283 {strides = array<i32>} : memref<64x2048xi32, #tpu.memory_space<vmem>>, vector<64x2048xi32>,
    } else {
    }
    %mul3A = arith.constant 2048 : i32
    %mul3A_2 = arith.muli %arg0, %mul3A : i32
    %get3A = arith.constant 0 : index
    %get3A_3 = arith.constant 0 : index
    %get3A_4 = vector.load %arg6[%get3A, %get3A_3] : memref<64x2048xi32, #tpu.memory_space<vmem>>, vector<64x2048xi32>
    %add3A = vector.broadcast %mul3A_2 : i32 to vector<64x2048xi32>
    %add3A_5 = arith.addi %get3A_4, %add3A : vector<64x2048xi32>
    %shift_left3A = arith.constant 13 : i32
    %shift_left3A_6 = vector.broadcast %shift_left3A : i32 to vector<64x2048xi32>
    %shift_left3A_7 = arith.shli %add3A_5, %shift_left3A_6 : vector<64x2048xi32>
    %shift_right_logical3A = arith.constant 19 : i32
    %shift_right_logical3A_8 = vector.broadcast %shift_right_logical3A : i32 to vector<64x2048xi32>
    %shift_right_logical3A_9 = arith.shrui %add3A_5, %shift_right_logical3A_8 : vector<64x2048xi32>
    %or3A = arith.ori %shift_left3A_7, %shift_right_logical3A_9 : vector<64x2048xi32>
    %xor3A = arith.xori %or3A, %add3A_5 : vector<64x2048xi32>
    %add3A_10 = arith.addi %add3A_5, %xor3A : vector<64x2048xi32>
    %shift_left3A_11 = arith.constant 15 : i32
    %shift_left3A_12 = vector.broadcast %shift_left3A_11 : i32 to vector<64x2048xi32>
    %shift_left3A_13 = arith.shli %xor3A, %shift_left3A_12 : vector<64x2048xi32>
    %shift_right_logical3A_14 = arith.constant 17 : i32
    %shift_right_logical3A_15 = vector.broadcast %shift_right_logical3A_14 : i32 to vector<64x2048xi32>
    %shift_right_logical3A_16 = arith.shrui %xor3A, %shift_right_logical3A_15 : vector<64x2048xi32>
    %or3A_17 = arith.ori %shift_left3A_13, %shift_right_logical3A_16 : vector<64x2048xi32>
    %xor3A_18 = arith.xori %or3A_17, %add3A_10 : vector<64x2048xi32>
    %add3A_19 = arith.addi %add3A_10, %xor3A_18 : vector<64x2048xi32>
    %shift_left3A_20 = arith.constant 26 : i32
    %shift_left3A_21 = vector.broadcast %shift_left3A_20 : i32 to vector<64x2048xi32>
    %shift_left3A_22 = arith.shli %xor3A_18, %shift_left3A_21 : vector<64x2048xi32>
    %shift_right_logical3A_23 = arith.constant 6 : i32
    %shift_right_logical3A_24 = vector.broadcast %shift_right_logical3A_23 : i32 to vector<64x2048xi32>
    %shift_right_logical3A_25 = arith.shrui %xor3A_18, %shift_right_logical3A_24 : vector<64x2048xi32>
    %or3A_26 = arith.ori %shift_left3A_22, %shift_right_logical3A_25 : vector<64x2048xi32>
    %xor3A_27 = arith.xori %or3A_26, %add3A_19 : vector<64x2048xi32>
    %add3A_28 = arith.addi %add3A_19, %xor3A_27 : vector<64x2048xi32>
    %shift_left3A_29 = arith.constant 6 : i32
    %shift_left3A_30 = vector.broadcast %shift_left3A_29 : i32 to vector<64x2048xi32>
    %shift_left3A_31 = arith.shli %xor3A_27, %shift_left3A_30 : vector<64x2048xi32>
    %shift_right_logical3A_32 = arith.constant 26 : i32
    %shift_right_logical3A_33 = vector.broadcast %shift_right_logical3A_32 : i32 to vector<64x2048xi32>
    %shift_right_logical3A_34 = arith.shrui %xor3A_27, %shift_right_logical3A_33 : vector<64x2048xi32>
    %or3A_35 = arith.ori %shift_left3A_31, %shift_right_logical3A_34 : vector<64x2048xi32>
    %xor3A_36 = arith.xori %or3A_35, %add3A_28 : vector<64x2048xi32>
    %add3A_37 = arith.constant 42 : i32
    %add3A_38 = vector.broadcast %add3A_37 : i32 to vector<64x2048xi32>
    %add3A_39 = arith.addi %add3A_28, %add3A_38 : vector<64x2048xi32>
    %add3A_40 = arith.constant 466689009 : i32
    %add3A_41 = vector.broadcast %add3A_40 : i32 to vector<64x2048xi32>
    %add3A_42 = arith.addi %xor3A_36, %add3A_41 : vector<64x2048xi32>
    %add3A_43 = arith.addi %add3A_39, %add3A_42 : vector<64x2048xi32>
    %shift_left3A_44 = arith.constant 17 : i32
    %shift_left3A_45 = vector.broadcast %shift_left3A_44 : i32 to vector<64x2048xi32>
    %shift_left3A_46 = arith.shli %add3A_42, %shift_left3A_45 : vector<64x2048xi32>
    %shift_right_logical3A_47 = arith.constant 15 : i32
    %shift_right_logical3A_48 = vector.broadcast %shift_right_logical3A_47 : i32 to vector<64x2048xi32>
    %shift_right_logical3A_49 = arith.shrui %add3A_42, %shift_right_logical3A_48 : vector<64x2048xi32>
    %or3A_50 = arith.ori %shift_left3A_46, %shift_right_logical3A_49 : vector<64x2048xi32>
    %xor3A_51 = arith.xori %or3A_50, %add3A_43 : vector<64x2048xi32>
    %add3A_52 = arith.addi %add3A_43, %xor3A_51 : vector<64x2048xi32>
    %shift_left3A_53 = arith.constant 29 : i32
    %shift_left3A_54 = vector.broadcast %shift_left3A_53 : i32 to vector<64x2048xi32>
    %shift_left3A_55 = arith.shli %xor3A_51, %shift_left3A_54 : vector<64x2048xi32>
    %shift_right_logical3A_56 = arith.constant 3 : i32
    %shift_right_logical3A_57 = vector.broadcast %shift_right_logical3A_56 : i32 to vector<64x2048xi32>
    %shift_right_logical3A_58 = arith.shrui %xor3A_51, %shift_right_logical3A_57 : vector<64x2048xi32>
    %or3A_59 = arith.ori %shift_left3A_55, %shift_right_logical3A_58 : vector<64x2048xi32>
    %xor3A_60 = arith.xori %or3A_59, %add3A_52 : vector<64x2048xi32>
    %add3A_61 = arith.addi %add3A_52, %xor3A_60 : vector<64x2048xi32>
    %shift_left3A_62 = arith.constant 16 : i32
    %shift_left3A_63 = vector.broadcast %shift_left3A_62 : i32 to vector<64x2048xi32>
    %shift_left3A_64 = arith.shli %xor3A_60, %shift_left3A_63 : vector<64x2048xi32>
    %shift_right_logical3A_65 = arith.constant 16 : i32
    %shift_right_logical3A_66 = vector.broadcast %shift_right_logical3A_65 : i32 to vector<64x2048xi32>
    %shift_right_logical3A_67 = arith.shrui %xor3A_60, %shift_right_logical3A_66 : vector<64x2048xi32>
    %or3A_68 = arith.ori %shift_left3A_64, %shift_right_logical3A_67 : vector<64x2048xi32>
    %xor3A_69 = arith.xori %or3A_68, %add3A_61 : vector<64x2048xi32>
    %add3A_70 = arith.addi %add3A_61, %xor3A_69 : vector<64x2048xi32>
    %shift_left3A_71 = arith.constant 24 : i32
    %shift_left3A_72 = vector.broadcast %shift_left3A_71 : i32 to vector<64x2048xi32>
    %shift_left3A_73 = arith.shli %xor3A_69, %shift_left3A_72 : vector<64x2048xi32>
    %shift_right_logical3A_74 = arith.constant 8 : i32
    %shift_right_logical3A_75 = vector.broadcast %shift_right_logical3A_74 : i32 to vector<64x2048xi32>
    %shift_right_logical3A_76 = arith.shrui %xor3A_69, %shift_right_logical3A_75 : vector<64x2048xi32>
    %or3A_77 = arith.ori %shift_left3A_73, %shift_right_logical3A_76 : vector<64x2048xi32>
    %xor3A_78 = arith.xori %or3A_77, %add3A_70 : vector<64x2048xi32>
    %add3A_79 = arith.constant 466689008 : i32
    %add3A_80 = vector.broadcast %add3A_79 : i32 to vector<64x2048xi32>
    %add3A_81 = arith.addi %add3A_70, %add3A_80 : vector<64x2048xi32>
    %add3A_82 = arith.constant 2 : i32
    %add3A_83 = vector.broadcast %add3A_82 : i32 to vector<64x2048xi32>
    %add3A_84 = arith.addi %xor3A_78, %add3A_83 : vector<64x2048xi32>
    %add3A_85 = arith.addi %add3A_81, %add3A_84 : vector<64x2048xi32>
    %shift_left3A_86 = arith.constant 13 : i32
    %shift_left3A_87 = vector.broadcast %shift_left3A_86 : i32 to vector<64x2048xi32>
    %shift_left3A_88 = arith.shli %add3A_84, %shift_left3A_87 : vector<64x2048xi32>
    %shift_right_logical3A_89 = arith.constant 19 : i32
    %shift_right_logical3A_90 = vector.broadcast %shift_right_logical3A_89 : i32 to vector<64x2048xi32>
    %shift_right_logical3A_91 = arith.shrui %add3A_84, %shift_right_logical3A_90 : vector<64x2048xi32>
    %or3A_92 = arith.ori %shift_left3A_88, %shift_right_logical3A_91 : vector<64x2048xi32>
    %xor3A_93 = arith.xori %or3A_92, %add3A_85 : vector<64x2048xi32>
    %add3A_94 = arith.addi %add3A_85, %xor3A_93 : vector<64x2048xi32>
    %shift_left3A_95 = arith.constant 15 : i32
    %shift_left3A_96 = vector.broadcast %shift_left3A_95 : i32 to vector<64x2048xi32>
    %shift_left3A_97 = arith.shli %xor3A_93, %shift_left3A_96 : vector<64x2048xi32>
    %shift_right_logical3A_98 = arith.constant 17 : i32
    %shift_right_logical3A_99 = vector.broadcast %shift_right_logical3A_98 : i32 to vector<64x2048xi32>
    %shift_right_logical3A_100 = arith.shrui %xor3A_93, %shift_right_logical3A_99 : vector<64x2048xi32>
    %or3A_101 = arith.ori %shift_left3A_97, %shift_right_logical3A_100 : vector<64x2048xi32>
    %xor3A_102 = arith.xori %or3A_101, %add3A_94 : vector<64x2048xi32>
    %add3A_103 = arith.addi %add3A_94, %xor3A_102 : vector<64x2048xi32>
    %shift_left3A_104 = arith.constant 26 : i32
    %shift_left3A_105 = vector.broadcast %shift_left3A_104 : i32 to vector<64x2048xi32>
    %shift_left3A_106 = arith.shli %xor3A_102, %shift_left3A_105 : vector<64x2048xi32>
    %shift_right_logical3A_107 = arith.constant 6 : i32
    %shift_right_logical3A_108 = vector.broadcast %shift_right_logical3A_107 : i32 to vector<64x2048xi32>
    %shift_right_logical3A_109 = arith.shrui %xor3A_102, %shift_right_logical3A_108 : vector<64x2048xi32>
    %or3A_110 = arith.ori %shift_left3A_106, %shift_right_logical3A_109 : vector<64x2048xi32>
    %xor3A_111 = arith.xori %or3A_110, %add3A_103 : vector<64x2048xi32>
    %add3A_112 = arith.addi %add3A_103, %xor3A_111 : vector<64x2048xi32>
    %shift_left3A_113 = arith.constant 6 : i32
    %shift_left3A_114 = vector.broadcast %shift_left3A_113 : i32 to vector<64x2048xi32>
    %shift_left3A_115 = arith.shli %xor3A_111, %shift_left3A_114 : vector<64x2048xi32>
    %shift_right_logical3A_116 = arith.constant 26 : i32
    %shift_right_logical3A_117 = vector.broadcast %shift_right_logical3A_116 : i32 to vector<64x2048xi32>
    %shift_right_logical3A_118 = arith.shrui %xor3A_111, %shift_right_logical3A_117 : vector<64x2048xi32>
    %or3A_119 = arith.ori %shift_left3A_115, %shift_right_logical3A_118 : vector<64x2048xi32>
    %xor3A_120 = arith.xori %or3A_119, %add3A_112 : vector<64x2048xi32>
    %add3A_121 = arith.constant 45 : i32
    %add3A_122 = vector.broadcast %add3A_121 : i32 to vector<64x2048xi32>
    %add3A_123 = arith.addi %xor3A_120, %add3A_122 : vector<64x2048xi32>
    %add3A_124 = arith.addi %add3A_112, %add3A_123 : vector<64x2048xi32>
    %shift_left3A_125 = arith.constant 17 : i32
    %shift_left3A_126 = vector.broadcast %shift_left3A_125 : i32 to vector<64x2048xi32>
    %shift_left3A_127 = arith.shli %add3A_123, %shift_left3A_126 : vector<64x2048xi32>
    %shift_right_logical3A_128 = arith.constant 15 : i32
    %shift_right_logical3A_129 = vector.broadcast %shift_right_logical3A_128 : i32 to vector<64x2048xi32>
    %shift_right_logical3A_130 = arith.shrui %add3A_123, %shift_right_logical3A_129 : vector<64x2048xi32>
    %or3A_131 = arith.ori %shift_left3A_127, %shift_right_logical3A_130 : vector<64x2048xi32>
    %xor3A_132 = arith.xori %or3A_131, %add3A_124 : vector<64x2048xi32>
    %add3A_133 = arith.addi %add3A_124, %xor3A_132 : vector<64x2048xi32>
    %shift_left3A_134 = arith.constant 29 : i32
    %shift_left3A_135 = vector.broadcast %shift_left3A_134 : i32 to vector<64x2048xi32>
    %shift_left3A_136 = arith.shli %xor3A_132, %shift_left3A_135 : vector<64x2048xi32>
    %shift_right_logical3A_137 = arith.constant 3 : i32
    %shift_right_logical3A_138 = vector.broadcast %shift_right_logical3A_137 : i32 to vector<64x2048xi32>
    %shift_right_logical3A_139 = arith.shrui %xor3A_132, %shift_right_logical3A_138 : vector<64x2048xi32>
    %or3A_140 = arith.ori %shift_left3A_136, %shift_right_logical3A_139 : vector<64x2048xi32>
    %xor3A_141 = arith.xori %or3A_140, %add3A_133 : vector<64x2048xi32>
    %add3A_142 = arith.addi %add3A_133, %xor3A_141 : vector<64x2048xi32>
    %shift_left3A_143 = arith.constant 16 : i32
    %shift_left3A_144 = vector.broadcast %shift_left3A_143 : i32 to vector<64x2048xi32>
    %shift_left3A_145 = arith.shli %xor3A_141, %shift_left3A_144 : vector<64x2048xi32>
    %shift_right_logical3A_146 = arith.constant 16 : i32
    %shift_right_logical3A_147 = vector.broadcast %shift_right_logical3A_146 : i32 to vector<64x2048xi32>
    %shift_right_logical3A_148 = arith.shrui %xor3A_141, %shift_right_logical3A_147 : vector<64x2048xi32>
    %or3A_149 = arith.ori %shift_left3A_145, %shift_right_logical3A_148 : vector<64x2048xi32>
    %xor3A_150 = arith.xori %or3A_149, %add3A_142 : vector<64x2048xi32>
    %add3A_151 = arith.addi %add3A_142, %xor3A_150 : vector<64x2048xi32>
    %shift_left3A_152 = arith.constant 24 : i32
    %shift_left3A_153 = vector.broadcast %shift_left3A_152 : i32 to vector<64x2048xi32>
    %shift_left3A_154 = arith.shli %xor3A_150, %shift_left3A_153 : vector<64x2048xi32>
    %shift_right_logical3A_155 = arith.constant 8 : i32
    %shift_right_logical3A_156 = vector.broadcast %shift_right_logical3A_155 : i32 to vector<64x2048xi32>
    %shift_right_logical3A_157 = arith.shrui %xor3A_150, %shift_right_logical3A_156 : vector<64x2048xi32>
    %or3A_158 = arith.ori %shift_left3A_154, %shift_right_logical3A_157 : vector<64x2048xi32>
    %xor3A_159 = arith.xori %or3A_158, %add3A_151 : vector<64x2048xi32>
    %add3A_160 = arith.constant 42 : i32
    %add3A_161 = vector.broadcast %add3A_160 : i32 to vector<64x2048xi32>
    %add3A_162 = arith.addi %add3A_151, %add3A_161 : vector<64x2048xi32>
    %add3A_163 = arith.constant 466689012 : i32
    %add3A_164 = vector.broadcast %add3A_163 : i32 to vector<64x2048xi32>
    %add3A_165 = arith.addi %xor3A_159, %add3A_164 : vector<64x2048xi32>
    %add3A_166 = arith.addi %add3A_162, %add3A_165 : vector<64x2048xi32>
    %shift_left3A_167 = arith.constant 13 : i32
    %shift_left3A_168 = vector.broadcast %shift_left3A_167 : i32 to vector<64x2048xi32>
    %shift_left3A_169 = arith.shli %add3A_165, %shift_left3A_168 : vector<64x2048xi32>
    %shift_right_logical3A_170 = arith.constant 19 : i32
    %shift_right_logical3A_171 = vector.broadcast %shift_right_logical3A_170 : i32 to vector<64x2048xi32>
    %shift_right_logical3A_172 = arith.shrui %add3A_165, %shift_right_logical3A_171 : vector<64x2048xi32>
    %or3A_173 = arith.ori %shift_left3A_169, %shift_right_logical3A_172 : vector<64x2048xi32>
    %xor3A_174 = arith.xori %or3A_173, %add3A_166 : vector<64x2048xi32>
    %add3A_175 = arith.addi %add3A_166, %xor3A_174 : vector<64x2048xi32>
    %shift_left3A_176 = arith.constant 15 : i32
    %shift_left3A_177 = vector.broadcast %shift_left3A_176 : i32 to vector<64x2048xi32>
    %shift_left3A_178 = arith.shli %xor3A_174, %shift_left3A_177 : vector<64x2048xi32>
    %shift_right_logical3A_179 = arith.constant 17 : i32
    %shift_right_logical3A_180 = vector.broadcast %shift_right_logical3A_179 : i32 to vector<64x2048xi32>
    %shift_right_logical3A_181 = arith.shrui %xor3A_174, %shift_right_logical3A_180 : vector<64x2048xi32>
    %or3A_182 = arith.ori %shift_left3A_178, %shift_right_logical3A_181 : vector<64x2048xi32>
    %xor3A_183 = arith.xori %or3A_182, %add3A_175 : vector<64x2048xi32>
    %add3A_184 = arith.addi %add3A_175, %xor3A_183 : vector<64x2048xi32>
    %shift_left3A_185 = arith.constant 26 : i32
    %shift_left3A_186 = vector.broadcast %shift_left3A_185 : i32 to vector<64x2048xi32>
    %shift_left3A_187 = arith.shli %xor3A_183, %shift_left3A_186 : vector<64x2048xi32>
    %shift_right_logical3A_188 = arith.constant 6 : i32
    %shift_right_logical3A_189 = vector.broadcast %shift_right_logical3A_188 : i32 to vector<64x2048xi32>
    %shift_right_logical3A_190 = arith.shrui %xor3A_183, %shift_right_logical3A_189 : vector<64x2048xi32>
    %or3A_191 = arith.ori %shift_left3A_187, %shift_right_logical3A_190 : vector<64x2048xi32>
    %xor3A_192 = arith.xori %or3A_191, %add3A_184 : vector<64x2048xi32>
    %add3A_193 = arith.addi %add3A_184, %xor3A_192 : vector<64x2048xi32>
    %shift_left3A_194 = arith.constant 6 : i32
    %shift_left3A_195 = vector.broadcast %shift_left3A_194 : i32 to vector<64x2048xi32>
    %shift_left3A_196 = arith.shli %xor3A_192, %shift_left3A_195 : vector<64x2048xi32>
    %shift_right_logical3A_197 = arith.constant 26 : i32
    %shift_right_logical3A_198 = vector.broadcast %shift_right_logical3A_197 : i32 to vector<64x2048xi32>
    %shift_right_logical3A_199 = arith.shrui %xor3A_192, %shift_right_logical3A_198 : vector<64x2048xi32>
    %or3A_200 = arith.ori %shift_left3A_196, %shift_right_logical3A_199 : vector<64x2048xi32>
    %xor3A_201 = arith.xori %or3A_200, %add3A_193 : vector<64x2048xi32>
    %add3A_202 = arith.constant 466689008 : i32
    %add3A_203 = vector.broadcast %add3A_202 : i32 to vector<64x2048xi32>
    %add3A_204 = arith.addi %add3A_193, %add3A_203 : vector<64x2048xi32>
    %add3A_205 = arith.constant 5 : i32
    %add3A_206 = vector.broadcast %add3A_205 : i32 to vector<64x2048xi32>
    %add3A_207 = arith.addi %xor3A_201, %add3A_206 : vector<64x2048xi32>
    %xor3A_208 = arith.xori %add3A_204, %add3A_207 : vector<64x2048xi32>
    %shift_right_logical3A_209 = arith.constant 9 : i32
    %shift_right_logical3A_210 = vector.broadcast %shift_right_logical3A_209 : i32 to vector<64x2048xi32>
    %shift_right_logical3A_211 = arith.shrui %xor3A_208, %shift_right_logical3A_210 : vector<64x2048xi32>
    %or3A_212 = arith.constant 1065353216 : i32
    %or3A_213 = vector.broadcast %or3A_212 : i32 to vector<64x2048xi32>
    %or3A_214 = arith.ori %shift_right_logical3A_211, %or3A_213 : vector<64x2048xi32>
    %bitcast_convert_type3A = tpu.bitcast %or3A_214 : vector<64x2048xi32> -> vector<64x2048xf32>
    %sub3A = arith.constant 1.000000e+00 : f32
    %sub3A_215 = vector.broadcast %sub3A : f32 to vector<64x2048xf32>
    %sub3A_216 = arith.subf %bitcast_convert_type3A, %sub3A_215 : vector<64x2048xf32>
    %add3A_217 = arith.constant 1.17549435E-38 : f32
    %add3A_218 = vector.broadcast %add3A_217 : f32 to vector<64x2048xf32>
    %add3A_219 = arith.addf %sub3A_216, %add3A_218 : vector<64x2048xf32>
    %log3A = math.log %add3A_219 : vector<64x2048xf32>
    %neg3A = arith.constant 0.000000e+00 : f32
    %neg3A_220 = vector.broadcast %neg3A : f32 to vector<64x2048xf32>
    %neg3A_221 = arith.subf %neg3A_220, %log3A : vector<64x2048xf32>
    %log3A_222 = math.log %neg3A_221 : vector<64x2048xf32>
    %neg3A_223 = arith.constant 0.000000e+00 : f32
    %neg3A_224 = vector.broadcast %neg3A_223 : f32 to vector<64x2048xf32>
    %neg3A_225 = arith.subf %neg3A_224, %log3A_222 : vector<64x2048xf32>
    %get3A_226 = arith.constant 0 : index
    %get3A_227 = arith.constant 0 : index
    %get3A_228 = vector.load %arg1[%get3A_226, %get3A_227] : memref<64x2048xf32, #tpu.memory_space<vmem>>, vector<64x2048xf32>
    %add3A_229 = arith.addf %neg3A_225, %get3A_228 : vector<64x2048xf32>
    %iota3A = tpu.iota {dimensions = array<i32: 1>} : vector<64x2048xi32>
    %sub3A_230 = arith.constant 708608 : i32
    %sub3A_231 = arith.subi %sub3A_230, %mul3A_2 : i32
    %lt3A = vector.broadcast %sub3A_231 : i32 to vector<64x2048xi32>
    %lt3A_232 = arith.cmpi slt, %iota3A, %lt3A : vector<64x2048xi32>
    %jit3A = arith.constant 0xFF800000 : f32
    %broadcast_in_dim3A = vector.broadcast %jit3A : f32 to vector<64x2048xf32>
    %select_n3A = arith.select %lt3A_232, %add3A_229, %broadcast_in_dim3A : vector<64x2048xi1>, vector<64x2048xf32>
    %reduce_max3A = arith.constant dense<0xFF800000> : vector<64xf32>
    %reduce_max3A_233 = vector.multi_reduction <maximumf>, %select_n3A, %reduce_max3A [1] : vector<64x2048xf32> to vector<64xf32>
    %broadcast_in_dim3A_234 = vector.shape_cast %reduce_max3A_233 : vector<64xf32> to vector<64x1xf32>
    %eq3A_235 = vector.broadcast %broadcast_in_dim3A_234 : vector<64x1xf32> to vector<64x2048xf32>
    %eq3A_236 = arith.cmpf oeq, %select_n3A, %eq3A_235 : vector<64x2048xf32>
    %jit3A_237 = arith.constant 2147483647 : i32
    %broadcast_in_dim3A_238 = vector.broadcast %jit3A_237 : i32 to vector<64x2048xi32>
    %select_n3A_239 = arith.select %eq3A_236, %iota3A, %broadcast_in_dim3A_238 : vector<64x2048xi1>, vector<64x2048xi32>
    %reduce_min3A = arith.constant dense<2147483647> : vector<64xi32>
    %reduce_min3A_240 = vector.multi_reduction <minsi>, %select_n3A_239, %reduce_min3A [1] : vector<64x2048xi32> to vector<64xi32>
    %broadcast_in_dim3A_241 = vector.shape_cast %reduce_min3A_240 : vector<64xi32> to vector<64x1xi32>
    %add3A_242 = vector.broadcast %mul3A_2 : i32 to vector<64x1xi32>
    %add3A_243 = arith.addi %add3A_242, %broadcast_in_dim3A_241 : vector<64x1xi32>
    %get3A_244 = arith.constant 0 : index
    %get3A_245 = arith.constant 0 : index
    %get3A_246 = vector.load %arg4[%get3A_244, %get3A_245] : memref<64x1xf32, #tpu.memory_space<vmem>>, vector<64x1xf32>
    %gt3A = arith.cmpf ogt, %broadcast_in_dim3A_234, %get3A_246 : vector<64x1xf32>
    %get3A_247 = arith.constant 0 : index
    %get3A_248 = arith.constant 0 : index
    %get3A_249 = vector.load %arg4[%get3A_247, %get3A_248] : memref<64x1xf32, #tpu.memory_space<vmem>>, vector<64x1xf32>
    %select_n3A_250 = arith.select %gt3A, %broadcast_in_dim3A_234, %get3A_249 : vector<64x1xi1>, vector<64x1xf32>
    %swap3A = arith.constant 0 : index
    %swap3A_251 = arith.constant 0 : index
    %swap3A_252 = vector.load %arg4[%swap3A, %swap3A_251] : memref<64x1xf32, #tpu.memory_space<vmem>>, vector<64x1xf32>
    tpu.vector_store %arg4[%swap3A, %swap3A_251], %select_n3A_250 {strides = array<i32>} : memref<64x1xf32, #tpu.memory_space<vmem>>, vector<64x1xf32>,
    %get3A_253 = arith.constant 0 : index
    %get3A_254 = arith.constant 0 : index
    %get3A_255 = vector.load %arg5[%get3A_253, %get3A_254] : memref<64x1xi32, #tpu.memory_space<vmem>>, vector<64x1xi32>
    %select_n3A_256 = arith.select %gt3A, %add3A_243, %get3A_255 : vector<64x1xi1>, vector<64x1xi32>
    %swap3A_257 = arith.constant 0 : index
    %swap3A_258 = arith.constant 0 : index
    %swap3A_259 = vector.load %arg5[%swap3A_257, %swap3A_258] : memref<64x1xi32, #tpu.memory_space<vmem>>, vector<64x1xi32>
    tpu.vector_store %arg5[%swap3A_257, %swap3A_258], %select_n3A_256 {strides = array<i32>} : memref<64x1xi32, #tpu.memory_space<vmem>>, vector<64x1xi32>,
    %eq3A_260 = arith.constant 345 : i32
    %eq3A_261 = arith.cmpi eq, %arg0, %eq3A_260 : i32
    %convert_element_type3A_262 = arith.extui %eq3A_261 : i1 to i32
    %cond3A_263 = arith.constant 0 : i32
    %cond3A_264 = arith.cmpi ne, %convert_element_type3A_262, %cond3A_263 : i32
    scf.if %cond3A_264 {
      %get3A_265 = arith.constant 0 : index
      %get3A_266 = arith.constant 0 : index
      %get3A_267 = vector.load %arg4[%get3A_265, %get3A_266] : memref<64x1xf32, #tpu.memory_space<vmem>>, vector<64x1xf32>
      %swap3A_268 = arith.constant 0 : index
      %swap3A_269 = arith.constant 0 : index
      %swap3A_270 = vector.load %arg2[%swap3A_268, %swap3A_269] : memref<64x1xf32, #tpu.memory_space<vmem>>, vector<64x1xf32>
      tpu.vector_store %arg2[%swap3A_268, %swap3A_269], %get3A_267 {strides = array<i32>} : memref<64x1xf32, #tpu.memory_space<vmem>>, vector<64x1xf32>,
      %get3A_271 = arith.constant 0 : index
      %get3A_272 = arith.constant 0 : index
      %get3A_273 = vector.load %arg5[%get3A_271, %get3A_272] : memref<64x1xi32, #tpu.memory_space<vmem>>, vector<64x1xi32>
      %swap3A_274 = arith.constant 0 : index
      %swap3A_275 = arith.constant 0 : index
      %swap3A_276 = vector.load %arg3[%swap3A_274, %swap3A_275] : memref<64x1xi32, #tpu.memory_space<vmem>>, vector<64x1xi32>
      tpu.vector_store %arg3[%swap3A_274, %swap3A_275], %get3A_273 {strides = array<i32>} : memref<64x1xi32, #tpu.memory_space<vmem>>, vector<64x1xi32>,
    } else {
    }
    return
  }
  func.func @transform_0(%arg0: i32) -> (i32, i32) {
    %c0_i32 = arith.constant 0 : i32
    %c0_i32_0 = arith.constant 0 : i32
    return %c0_i32, %arg0 : i32, i32
  }
  func.func @transform_1(%arg0: i32) -> (i32, i32) {
    %c0_i32 = arith.constant 0 : i32
    %c0_i32_0 = arith.constant 0 : i32
    %c0_i32_1 = arith.constant 0 : i32
    return %c0_i32, %c0_i32_0 : i32, i32
  }
  func.func @transform_2(%arg0: i32) -> (i32, i32) {
    %c0_i32 = arith.constant 0 : i32
    %c0_i32_0 = arith.constant 0 : i32
    %c0_i32_1 = arith.constant 0 : i32
    return %c0_i32, %c0_i32_0 : i32, i32
  }
}

</mosaic_0001>

<sc_bundles>
// kernel: kernel.5.cloned.1.call-start
scs
__scs_entry_jumppad:
0x0: {  	(pc) =	sbr.rel $0x88, $3  }
0x1: {  	(tag) =	ssettag $0x0;
	lr =	simm.s32 $0x1  }
0x2: {  	[smem:$0x3FA0] =	sst lr;
	_ =	strace $0xD0000000  }
0x3: {  	_ = 	snop  }
0x4: {  	_ = 	snop  }
0x5: {  	_ = 	snop  }
0x6: {  	_ = 	snop  }
0x7: {  	_ = 	snop  }
__scs_overlays_trampoline_lowered:
0x8: {  	[smem:$0x3FAF] =	sst s0  }
0x9: {  	[smem:$0x3FB0] =	sst s1  }
0xa: {  	[smem:$0x3FB1] =	sst s2  }
0xb: {  	[smem:$0x3FB2] =	sst s3  }
0xc: {  	[smem:$0x3FB3] =	sst s4  }
0xd: {  	[smem:$0x3FB4] =	sst s5  }
0xe: {  	[smem:$0x3FB5] =	sst s6  }
0xf: {  	[smem:$0x3FB6] =	sst s7  }
0x10: {  	[smem:$0x3FB7] =	sst s8  }
0x11: {  	[smem:$0x3FB8] =	sst s9;
	s0 =	simm.s32 @!p0 $0x0  }
0x12: {  	s1 =	sld [smem:$0x3F9E];
	s0 =	simm.s32 @p0 $0x1  }
0x13: {  	[smem:$0x3FB9] =	sst s0;
	s0 =	simm.s32 @!p1 $0x0  }
0x14: {  	s2 =	sld [smem:$0x3F9D];
	s0 =	simm.s32 @p1 $0x1  }
0x15: {  	[smem:$0x3FBA] =	sst s0;
	s0 =	simm.s32 @!p2 $0x0  }
0x16: {  	s3 =	sld [smem:$0x3FDB];
	s0 =	simm.s32 @p2 $0x1  }
0x17: {  	s4 =	simm.s32 $0x1BF5;
	[smem:$0x3FBC] =	sst s0  }
0x18: {  	s0 =	sld [smem:$0x3F9F];
	_ =	swait.ge [sflag:s4], $0x0  }
0x19: {  	s7 =	sld [smem:$0x3FA0]  }
0x1a: {  	s8 =	sadd.s32 $0xFFFFE003, lr  }
0x1b: {  	s9 =	sadd.s32 $0xFFFFFEF7, lr;
	s5 =	simm.s32 $0xFFFFFFFF;
	p2 =	slt.u32 s8, $0xFFFFF086  }
0x1c: {  	p1 =	slt.u32 s9, $0xF7A;
	s5 =	simm.s32 @!p2 $0x0  }
0x1d: {  	s5 =	simm.s32 @p1 $0x1;
	p0 =	seq.s32 s7, s2  }
0x1e: {  	s7 =	smul.u32 @!p0 $0xF7A, s2;
	p2 =	seq.s32 @!p0 s5, $0x0  }
0x1f: {  	s9 =	smul.u32 $0xF7A, s1;
	s8 =	simm.s32 @!p0 $0x1BF5;
	p2 =	por !p2, p0  }
0x20: {  	[sflag:s8] =	ssyncset.s32 @!p0 $0xFFFFF086;
	s6 =	sadd.s32 @!p0 s3, s7;
	s7 =	simm.s32 @!p0 $0x108  }
0x21: {  	s3 =	sadd.s32 s3, s9;
	s6 =	sadd.s32 @!p0 $0x88, s6;
	s7 =	simm.s32 @p2 $0x1082  }
0x22: {  	[simem:s7], [sflag:s8] =	dma.local @!p0 [hbm:s6], $0xF7A  }
0x23: {  	s9 =	sor.u32 $0xD0000000, s2;
	s6 =	simm.s32 $0x108;
	_ =	swait.ge @!p0 [sflag:s8], $0x0  }
0x24: {  	s3 =	sadd.s32 $0x88, s3;
	s6 =	simm.s32 @!p1 $0x1082;
	[sflag:s4] =	ssyncset.s32 $0xFFFFF086  }
0x25: {  	[simem:s6], [sflag:s4] =	dma.local [hbm:s3], $0xF7A  }
0x26: {  	[smem:$0x3FA0] =	sst s1;
	(tag) =	ssettag s2;
	_ =	strace s9  }
0x27: {  	s1 =	sld [smem:$0x3FB0]  }
0x28: {  	s2 =	sld [smem:$0x3FB1]  }
0x29: {  	s4 =	sld [smem:$0x3FB3]  }
0x2a: {  	p0 =	seq.s32 s5, $0x0;
	s5 =	sld [smem:$0x3FB4]  }
0x2b: {  	s6 =	sld [smem:$0x3FB5]  }
0x2c: {  	s7 =	sld [smem:$0x3FB6]  }
0x2d: {  	s3 =	simm.s32 $0x108;
	s8 =	sld [smem:$0x3FB7]  }
0x2e: {  	s3 =	simm.s32 @!p0 $0x1082;
	s9 =	sld [smem:$0x3FB8]  }
0x2f: {  	lr =	sadd.s32 s0, s3;
	s0 =	sld [smem:$0x3FAF]  }
0x30: {  	s3 =	sld [smem:$0x3FB2]  }
0x31: {  	[smem:$0x3FBB] =	sst s10  }
0x32: {  	s10 =	sld [smem:$0x3FB9];
	_ =	sdelay $0x3  }
0x33: {  	p0 =	seq.s32 s10, $0x1;
	s10 =	sld [smem:$0x3FBB];
	_ =	sdelay $0x3  }
0x34: {  	[smem:$0x3FBB] =	sst s10  }
0x35: {  	s10 =	sld [smem:$0x3FBA];
	_ =	sdelay $0x3  }
0x36: {  	p1 =	seq.s32 s10, $0x1;
	s10 =	sld [smem:$0x3FBB];
	_ =	sdelay $0x3  }
0x37: {  	[smem:$0x3FBB] =	sst s10  }
0x38: {  	s10 =	sld [smem:$0x3FBC]  }
0x39: {  	_ = 	snop;
	(pc) =	sbr.ind lr, $3  }
0x3a: {  	_ = 	snop  }
0x3b: {  	_ = 	snop  }
0x3c: {  	p2 =	seq.s32 s10, $0x1;
	s10 =	sld [smem:$0x3FBB]  }
0x3d: {  	_ =	shalt  }
0x3e: {  	_ =	shalt  }
0x3f: {  	_ =	shalt  }
0x40: {  	_ =	shalt  }
0x41: {  	_ =	shalt  }
0x42: {  	_ =	shalt  }
0x43: {  	_ =	shalt  }
0x44: {  	_ =	shalt  }
0x45: {  	_ =	shalt  }
0x46: {  	_ =	shalt  }
0x47: {  	_ =	shalt  }
0x48: {  	_ =	shalt  }
0x49: {  	_ =	shalt  }
0x4a: {  	_ =	shalt  }
0x4b: {  	_ =	shalt  }
0x4c: {  	_ =	shalt  }
0x4d: {  	_ =	shalt  }
0x4e: {  	_ =	shalt  }
0x4f: {  	_ =	shalt  }
0x50: {  	_ =	shalt  }
0x51: {  	_ =	shalt  }
0x52: {  	_ =	shalt  }
0x53: {  	_ =	shalt  }
0x54: {  	_ =	shalt  }
0x55: {  	_ =	shalt  }
0x56: {  	_ =	shalt  }
0x57: {  	_ =	shalt  }
0x58: {  	_ =	shalt  }
0x59: {  	_ =	shalt  }
0x5a: {  	_ =	shalt  }
0x5b: {  	_ =	shalt  }
0x5c: {  	_ =	shalt  }
0x5d: {  	_ =	shalt  }
0x5e: {  	_ =	shalt  }
0x5f: {  	_ =	shalt  }
0x60: {  	_ =	shalt  }
0x61: {  	_ =	shalt  }
0x62: {  	_ =	shalt  }
0x63: {  	_ =	shalt  }
0x64: {  	_ =	shalt  }
0x65: {  	_ =	shalt  }
0x66: {  	_ =	shalt  }
0x67: {  	_ =	shalt  }
0x68: {  	_ =	shalt  }
0x69: {  	_ =	shalt  }
0x6a: {  	_ =	shalt  }
0x6b: {  	_ =	shalt  }
0x6c: {  	_ =	shalt  }
0x6d: {  	_ =	shalt  }
0x6e: {  	_ =	shalt  }
0x6f: {  	_ =	shalt  }
0x70: {  	_ =	shalt  }
0x71: {  	_ =	shalt  }
0x72: {  	_ =	shalt  }
0x73: {  	_ =	shalt  }
0x74: {  	_ =	shalt  }
0x75: {  	_ =	shalt  }
0x76: {  	_ =	shalt  }
0x77: {  	_ =	shalt  }
0x78: {  	_ =	shalt  }
0x79: {  	_ =	shalt  }
0x7a: {  	_ =	shalt  }
0x7b: {  	_ =	shalt  }
0x7c: {  	_ =	shalt  }
0x7d: {  	_ =	shalt  }
0x7e: {  	_ =	shalt  }
0x7f: {  	_ =	shalt  }
0x80: {  	_ =	shalt  }
0x81: {  	_ =	shalt  }
0x82: {  	_ =	shalt  }
0x83: {  	_ =	shalt  }
0x84: {  	_ =	shalt  }
0x85: {  	_ =	shalt  }
0x86: {  	_ =	shalt  }
0x87: {  	_ =	shalt  }
.Lfunc_end0:
.L_simem_size_0:
called_computation_lowered:
.L_overlay_start_0:
0x88: {  	s2 =	sld [smem:$0x3FD9]  }
0x89: {  	s3 =	sld [smem:$0x3FFE];
	_ =	sdelay $0x1  }
0x8a: {  	s1 =	srdreg.scid  }
0x8b: {  	s0 =	sand.u32 $0x1, s1  }
0x8c: {  	s16 =	sshll.u32 s0, $0xA;
	s2 =	sadd.s32 s3, s2  }
0x8d: {  	s2 =	sadd.s32 s2, s16  }
0x8e: {  	[smem:$0x3FC7] =	sst s2  }
0x8f: {  	_ = 	snop  }
0x90: {  	(tm) =	ssettm $0x1  }
0x91: {  	s17 =	sld [smem:$0x3FFB];
	_ =	sdelay $0x3  }
0x92: {  	_ =	strace s17  }
0x93: {  	s2 =	sld [smem:$0x3FFC];
	_ =	sdelay $0x3  }
0x94: {  	_ =	strace s2  }
0x95: {  	s2 =	sld [smem:$0x3FFD];
	_ =	sdelay $0x3  }
0x96: {  	_ =	strace s2  }
0x97: {  	_ =	strace $0x8FFFFFFF  }
0x98: {  	s18 =	sld [smem:$0x3FDB];
	_ =	sdelay $0x1  }
0x99: {  	s19 =	simm.s32 $_scs_section_size  }
0x9a: {  	s4 =	simm.s32 $_size__tile_overlayer_lowered;
	s5 =	simm.s32 $_tile_overlayer_lowered  }
0x9b: {  	s22 =	simm.s32 $0x1BFF;
	s21 =	sshll.u32 s5, $0x1;
	s2 =	sadd.s32 s19, s18  }
0x9c: {  	s6 =	simm.s32 $0x0;
	s20 =	sshll.u32 s4, $0x1;
	s4 =	sadd.s32 s21, s2  }
0x9d: {  	[timem:s6], [sflag:s22] =	dma.local [hbm:s4], s20  }
0x9e: {  	_ =	swait.ge [sflag:s22], s20  }
0x9f: {  	s3 =	ssub.s32 $0x0, s20;
	[sflag:s22] =	ssyncset.done $0x0  }
0xa0: {  	[sflag:s22] =	ssyncadd.s32 s3;
	_ =	sdelay $0x1  }
0xa1: {  	s23 =	simm.s32 $0x1B8B  }
0xa2: {  	_ =	swait.ge [sflag:s23], $0x1  }
0xa3: {  	[sflag:s23] =	ssyncset.done $0x0  }
0xa4: {  	s25 =	simm.s32 $0x1B8E;
	s24 =	sld [smem:$0x3FFE];
	[sflag:s23] =	ssyncadd.s32 $0xFFFFFFFF  }
0xa5: {  	s26 =	simm.s32 $execute0_lowered;
	[smem:$0x3FD2] =	sst s25  }
0xa6: {  	s4 =	sshll.u32 s26, $0x1;
	_ =	strace $0x80000046;
	[dreg:$0x1] =	wrdreg $0xFFFFFFFF  }
0xa7: {  	s28 =	simm.s32 $_size_execute0_lowered;
	s2 =	sadd.s32 s2, s4;
	[dreg:$0x0] =	wrdreg $0x0  }
0xa8: {  	s4 =	sshll.u32 s28, $0x1;
	[dreg:$0x2] =	wrdreg s2  }
0xa9: {  	[dreg:$0x3] =	wrdreg s4  }
0xaa: {  	[dreg:$0x4] =	wrdreg $0xC0  }
0xab: {  	_ =	task [dreg:s6], $0x5FFFF  }
0xac: {  	[dreg:$0x1] =	wrdreg $0xFFFFFFFF  }
0xad: {  	[dreg:$0x0] =	wrdreg $0x60  }
0xae: {  	[dreg:$0x2] =	wrdreg s24  }
0xaf: {  	[dreg:$0x3] =	wrdreg $0x9  }
0xb0: {  	_ =	task.clear_ibuf [dreg:s6], $0x4FFFF;
	_ =	strace $0x90000046  }
0xb1: {  	s29 =	simm.s32 $0x9;
	_ =	strace $0x80000048  }
0xb2: {  	_ =	swait.ge [sflag:s29], $0x1  }
0xb3: {  	[sflag:s29] =	ssyncadd.s32 $0xFFFFFFFF  }
0xb4: {  	_ =	strace $0x90000048  }
0xb5: {  	_ =	sfence  }
0xb6: {  	s30 =	sld [smem:$0x0];
	_ =	sdelay $0x2  }
0xb7: {  	s31 =	sshll.u32 s1, $0xD;
	s1 =	sshrl.u32 s1, $0x2  }
0xb8: {  	s3 =	sand.u32 $0x4000, s31;
	s1 =	sadd.s32 s1, s30  }
0xb9: {  	s0 =	sor.u32 s3, s0;
	s1 =	sshll.u32 s1, $0x11  }
0xba: {  	s0 =	sor.u32 s1, s0  }
0xbb: {  	s0 =	sadd.s32 $0x8F2B, s0  }
0xbc: {  	[sflag:s0] =	ssyncadd.remote.s32 $0x1  }
0xbd: {  	_ =	sfence.sel $0xFFFF  }
0xbe: {  	[dreg:$0x0] =	wrdreg $0xFFFFFFFF;
	(pc) =	sbr.abs _section_cstart, $3  }
0xbf: {  	[dreg:$0x1] =	wrdreg $0xFFFFFFFF  }
0xc0: {  	_ =	task.clear_ibuf [dreg:s6], $0x2FFFF;
	_ =	strace $0x9FFFFFFF  }
0xc1: {  	(tm) =	ssettm $0x7FFFFFFF  }
tec
execute0_lowered:
.L_overlay_start_1:
0x0: {  	(tag) =	ssettag $0x1  }
0x1: {  	s1 =	srdreg.scid  }
0x2: {  	s4 =	rddreg [dreg:$0x0];
	s2 =	simm.s32 $0x0;
	s3 =	sand.u32 $0x1, s1  }
0x3: {  	[smem:$0x7FF] =	sst s2;
	s1 =	stileid.u32;
	s4 =	sadd.s32 $0x200, s4  }
0x4: {  	s6 =	sshll.u32 s3, $0x5;
	s7 =	sshll.u32 s1, $0x1;
	s8 =	smul.u32 $0x1E84800, s3  }
0x5: {  	s5 =	ssub.s32 $0x2, s3;
	s29 =	smul.u32 $0x1E8480, s1;
	s3 =	sor.u32 s7, s6  }
0x6: {  	_ =	strace $0x80000047;
	s9 =	sshrl.u32 s5, $0x1;
	s31 =	sshrl.u32 s3, $0x3  }
0x7: {  	s30 =	ssub.s32 s5, s9;
	s8 =	sadd.s32 s29, s8;
	s5 =	smul.u32 $0x23C000, s31  }
0x8: {  	v0 =	vlaneseq.u32;
	s6 =	smax.u32 s30, $0x1;
	s7 =	sadd.s32 $0xAD02A, s8;
	s8 =	simm.s32 $0x0  }
.LBB2_1:
0x9: {  	p1 =	por $0x1, $0x1;
	s9 =	simm.s32 $0x0  }
.LBB2_2:
0xa: {  	s10 =	sor.u32 s3, s9  }
0xb: {  	s11 =	smul.u32 $0xF4240, s9;
	s10 =	sshll.u32 s10, $0x7  }
0xc: {  	p0 =	por p1, p1;
	s12 =	simm.s32 $0x0;
	s10 =	sand.u32 $0x380, s10  }
0xd: {  	s9 =	sor.u32 s10, s5;
	s10 =	sadd.s32 s11, s7;
	s11 =	simm.s32 $0x0  }
.LBB2_3:
0xe: {  	s13 =	sadd.s32 $0x0, s10  }
0xf: {  	v1 =	vadd.s32 s13, v0  }
0x10: {  	v2 =	vshrl.u32 v1, $0x13;
	v3 =	vshll.u32 v1, $0xD  }
0x11: {  	v2 =	vor.u32 v2, v3  }
0x12: {  	v2 =	vxor.u32 v1, v2  }
0x13: {  	v3 =	vshrl.u32 v2, $0x11;
	v4 =	vshll.u32 v2, $0xF  }
0x14: {  	v1 =	vadd.s32 v1, v2;
	v2 =	vor.u32 v3, v4  }
0x15: {  	v2 =	vxor.u32 v1, v2  }
0x16: {  	v3 =	vshrl.u32 v2, $0x6;
	v4 =	vshll.u32 v2, $0x1A  }
0x17: {  	v1 =	vadd.s32 v1, v2;
	v2 =	vor.u32 v3, v4  }
0x18: {  	v2 =	vxor.u32 v1, v2  }
0x19: {  	v3 =	vshrl.u32 v2, $0x1A;
	v4 =	vshll.u32 v2, $0x6  }
0x1a: {  	v1 =	vadd.s32 v1, v2;
	v2 =	vor.u32 v3, v4  }
0x1b: {  	v2 =	vxor.u32 v1, v2  }
0x1c: {  	v2 =	vadd.s32 $0x1BD11BF1, v2  }
0x1d: {  	v1 =	vadd.s32 v2, v1;
	v3 =	vshrl.u32 v2, $0xF;
	v2 =	vshll.u32 v2, $0x11  }
0x1e: {  	v1 =	vadd.s32 $0x2A, v1;
	v2 =	vor.u32 v3, v2  }
0x1f: {  	v2 =	vxor.u32 v1, v2  }
0x20: {  	v3 =	vshrl.u32 v2, $0x3;
	v4 =	vshll.u32 v2, $0x1D  }
0x21: {  	v1 =	vadd.s32 v1, v2;
	v2 =	vor.u32 v3, v4  }
0x22: {  	v2 =	vxor.u32 v1, v2  }
0x23: {  	s22 =	sadd.s32 $0x10, s10;
	v3 =	vshrl.u32 v2, $0x10;
	v4 =	vshll.u32 v2, $0x10  }
0x24: {  	v1 =	vadd.s32 v1, v2;
	v2 =	vor.u32 v3, v4;
	v3 =	vadd.s32 s22, v0  }
0x25: {  	v2 =	vxor.u32 v1, v2;
	v4 =	vshrl.u32 v3, $0x13;
	v5 =	vshll.u32 v3, $0xD  }
0x26: {  	v6 =	vshrl.u32 v2, $0x8;
	v4 =	vor.u32 v4, v5  }
0x27: {  	v5 =	vshll.u32 v2, $0x18;
	v1 =	vadd.s32 v1, v2;
	v2 =	vxor.u32 v3, v4  }
0x28: {  	v4 =	vor.u32 v6, v5;
	v5 =	vshrl.u32 v2, $0x11;
	v6 =	vshll.u32 v2, $0xF  }
0x29: {  	v4 =	vxor.u32 v1, v4;
	v2 =	vadd.s32 v3, v2;
	v3 =	vor.u32 v5, v6  }
0x2a: {  	v4 =	vadd.s32 $0x2, v4;
	v3 =	vxor.u32 v2, v3  }
0x2b: {  	v1 =	vadd.s32 v4, v1;
	v5 =	vshrl.u32 v3, $0x6;
	v6 =	vshll.u32 v3, $0x1A  }
0x2c: {  	v7 =	vshrl.u32 v4, $0x13;
	v2 =	vadd.s32 v2, v3;
	v3 =	vor.u32 v5, v6  }
0x2d: {  	v4 =	vshll.u32 v4, $0xD;
	v1 =	vadd.s32 $0x1BD11BF0, v1;
	v3 =	vxor.u32 v2, v3  }
0x2e: {  	v4 =	vor.u32 v7, v4;
	v5 =	vshrl.u32 v3, $0x1A;
	v6 =	vshll.u32 v3, $0x6  }
0x2f: {  	v4 =	vxor.u32 v1, v4;
	v2 =	vadd.s32 v2, v3;
	v3 =	vor.u32 v5, v6  }
0x30: {  	v5 =	vshrl.u32 v4, $0x11;
	v6 =	vshll.u32 v4, $0xF;
	v3 =	vxor.u32 v2, v3  }
0x31: {  	v1 =	vadd.s32 v1, v4;
	v5 =	vor.u32 v5, v6;
	v3 =	vadd.s32 $0x1BD11BF1, v3  }
0x32: {  	v2 =	vadd.s32 v3, v2;
	v4 =	vshrl.u32 v3, $0xF;
	v3 =	vshll.u32 v3, $0x11  }
0x33: {  	v2 =	vadd.s32 $0x2A, v2;
	v3 =	vor.u32 v4, v3;
	v4 =	vxor.u32 v1, v5  }
0x34: {  	v3 =	vxor.u32 v2, v3;
	v5 =	vshrl.u32 v4, $0x6  }
0x35: {  	v8 =	vshll.u32 v4, $0x1A;
	v6 =	vshrl.u32 v3, $0x3;
	v7 =	vshll.u32 v3, $0x1D  }
0x36: {  	s23 =	sadd.s32 $0x20, s10;
	v1 =	vadd.s32 v1, v4;
	v2 =	vadd.s32 v2, v3;
	v3 =	vor.u32 v6, v7  }
0x37: {  	v5 =	vor.u32 v5, v8;
	v8 =	vadd.s32 s23, v0;
	v3 =	vxor.u32 v2, v3  }
0x38: {  	v5 =	vxor.u32 v1, v5;
	v4 =	vshrl.u32 v3, $0x10;
	v6 =	vshll.u32 v3, $0x10  }
0x39: {  	v10 =	vshrl.u32 v8, $0x13;
	v2 =	vadd.s32 v2, v3;
	v3 =	vor.u32 v4, v6  }
0x3a: {  	v11 =	vshll.u32 v8, $0xD;
	v4 =	vshrl.u32 v5, $0x1A;
	v3 =	vxor.u32 v2, v3  }
0x3b: {  	v6 =	vshll.u32 v5, $0x6;
	v7 =	vshrl.u32 v3, $0x8;
	v9 =	vshll.u32 v3, $0x18  }
0x3c: {  	v2 =	vadd.s32 v2, v3;
	v3 =	vor.u32 v7, v9;
	v7 =	vor.u32 v10, v11  }
0x3d: {  	v5 =	vadd.s32 v1, v5;
	v1 =	vxor.u32 v2, v3;
	v3 =	vxor.u32 v8, v7  }
0x3e: {  	v4 =	vor.u32 v4, v6;
	v6 =	vshrl.u32 v3, $0x11;
	v7 =	vshll.u32 v3, $0xF  }
0x3f: {  	v1 =	vadd.s32 $0x2, v1;
	v3 =	vadd.s32 v8, v3;
	v6 =	vor.u32 v6, v7  }
0x40: {  	v4 =	vxor.u32 v5, v4;
	v2 =	vadd.s32 v1, v2;
	v6 =	vxor.u32 v3, v6  }
0x41: {  	v7 =	vshrl.u32 v1, $0x13;
	v8 =	vshrl.u32 v6, $0x6;
	v9 =	vshll.u32 v6, $0x1A  }
0x42: {  	v1 =	vshll.u32 v1, $0xD;
	v3 =	vadd.s32 v3, v6;
	v6 =	vor.u32 v8, v9  }
0x43: {  	v2 =	vadd.s32 $0x1BD11BF0, v2;
	v1 =	vor.u32 v7, v1;
	v6 =	vxor.u32 v3, v6  }
0x44: {  	v7 =	vadd.s32 $0x2D, v4;
	v4 =	vshrl.u32 v6, $0x1A;
	v8 =	vshll.u32 v6, $0x6  }
0x45: {  	v1 =	vxor.u32 v2, v1;
	v3 =	vadd.s32 v3, v6;
	v4 =	vor.u32 v4, v8  }
0x46: {  	v9 =	vshll.u32 v1, $0xF;
	v6 =	vshrl.u32 v7, $0xF;
	v4 =	vxor.u32 v3, v4  }
0x47: {  	v8 =	vshrl.u32 v1, $0x11;
	v1 =	vadd.s32 v2, v1;
	v2 =	vadd.s32 $0x1BD11BF1, v4  }
0x48: {  	v3 =	vadd.s32 v2, v3;
	v4 =	vshrl.u32 v2, $0xF;
	v2 =	vshll.u32 v2, $0x11  }
0x49: {  	v8 =	vor.u32 v8, v9;
	v3 =	vadd.s32 $0x2A, v3;
	v2 =	vor.u32 v4, v2  }
0x4a: {  	v4 =	vxor.u32 v1, v8;
	v8 =	vshll.u32 v7, $0x11;
	v7 =	vadd.s32 v5, v7  }
0x4b: {  	v2 =	vxor.u32 v3, v2;
	v9 =	vshrl.u32 v4, $0x6;
	v12 =	vshll.u32 v4, $0x1A  }
0x4c: {  	v8 =	vor.u32 v6, v8;
	v10 =	vshrl.u32 v2, $0x3;
	v11 =	vshll.u32 v2, $0x1D  }
0x4d: {  	s24 =	sadd.s32 $0x30, s10;
	v1 =	vadd.s32 v1, v4;
	v2 =	vadd.s32 v3, v2;
	v3 =	vor.u32 v10, v11  }
0x4e: {  	v9 =	vor.u32 v9, v12;
	v12 =	vadd.s32 s24, v0;
	v3 =	vxor.u32 v2, v3  }
0x4f: {  	v8 =	vxor.u32 v7, v8;
	v4 =	vshrl.u32 v3, $0x10;
	v6 =	vshll.u32 v3, $0x10  }
0x50: {  	v9 =	vxor.u32 v1, v9;
	v2 =	vadd.s32 v2, v3;
	v3 =	vor.u32 v4, v6  }
0x51: {  	v13 =	vshll.u32 v12, $0xD;
	v7 =	vadd.s32 v7, v8;
	v3 =	vxor.u32 v2, v3  }
0x52: {  	v4 =	vshrl.u32 v9, $0x1A;
	v6 =	vshll.u32 v9, $0x6;
	v10 =	vshrl.u32 v3, $0x8  }
0x53: {  	v11 =	vshll.u32 v3, $0x18;
	v2 =	vadd.s32 v2, v3;
	v3 =	vshrl.u32 v12, $0x13  }
0x54: {  	v11 =	vor.u32 v10, v11;
	v10 =	vadd.s32 v1, v9;
	v1 =	vor.u32 v3, v13  }
0x55: {  	v4 =	vor.u32 v4, v6;
	v3 =	vxor.u32 v2, v11;
	v1 =	vxor.u32 v12, v1  }
0x56: {  	v4 =	vxor.u32 v10, v4;
	v6 =	vshrl.u32 v1, $0x11;
	v9 =	vshll.u32 v1, $0xF  }
0x57: {  	v3 =	vadd.s32 $0x2, v3;
	v1 =	vadd.s32 v12, v1;
	v6 =	vor.u32 v6, v9  }
0x58: {  	v2 =	vadd.s32 v3, v2;
	v9 =	vshrl.u32 v3, $0x13;
	v6 =	vxor.u32 v1, v6  }
0x59: {  	v3 =	vshll.u32 v3, $0xD;
	v11 =	vshrl.u32 v6, $0x6;
	v12 =	vshll.u32 v6, $0x1A  }
0x5a: {  	v2 =	vadd.s32 $0x1BD11BF0, v2;
	v1 =	vadd.s32 v1, v6;
	v6 =	vor.u32 v11, v12  }
0x5b: {  	v3 =	vor.u32 v9, v3;
	v11 =	vadd.s32 $0x2D, v4;
	v4 =	vxor.u32 v1, v6  }
0x5c: {  	v3 =	vxor.u32 v2, v3;
	v6 =	vshrl.u32 v4, $0x1A;
	v9 =	vshll.u32 v4, $0x6  }
0x5d: {  	v2 =	vadd.s32 v2, v3;
	v1 =	vadd.s32 v1, v4;
	v4 =	vor.u32 v6, v9  }
0x5e: {  	v6 =	vshrl.u32 v3, $0x11;
	v9 =	vshll.u32 v3, $0xF;
	v4 =	vxor.u32 v1, v4  }
0x5f: {  	v12 =	vshrl.u32 v11, $0xF;
	v3 =	vor.u32 v6, v9;
	v4 =	vadd.s32 $0x1BD11BF1, v4  }
0x60: {  	v1 =	vadd.s32 v4, v1;
	v6 =	vshrl.u32 v4, $0xF;
	v4 =	vshll.u32 v4, $0x11  }
0x61: {  	v3 =	vxor.u32 v2, v3;
	v1 =	vadd.s32 $0x2A, v1;
	v4 =	vor.u32 v6, v4  }
0x62: {  	v9 =	vshll.u32 v3, $0x1A;
	v6 =	vshrl.u32 v3, $0x6;
	v4 =	vxor.u32 v1, v4  }
0x63: {  	v6 =	vor.u32 v6, v9;
	v9 =	vshrl.u32 v4, $0x3;
	v13 =	vshll.u32 v4, $0x1D  }
0x64: {  	v2 =	vadd.s32 v2, v3;
	v1 =	vadd.s32 v1, v4;
	v3 =	vor.u32 v9, v13  }
0x65: {  	v4 =	vshll.u32 v11, $0x11;
	v6 =	vxor.u32 v2, v6;
	v3 =	vxor.u32 v1, v3  }
0x66: {  	s25 =	sadd.s32 $0x40, s10;
	v12 =	vor.u32 v12, v4;
	v4 =	vshrl.u32 v6, $0x1A;
	v9 =	vshrl.u32 v3, $0x10  }
0x67: {  	v13 =	vshll.u32 v3, $0x10;
	v1 =	vadd.s32 v1, v3;
	v3 =	vadd.s32 s25, v0  }
0x68: {  	v9 =	vor.u32 v9, v13;
	v13 =	vshrl.u32 v3, $0x13;
	v14 =	vshll.u32 v3, $0xD  }
0x69: {  	v15 =	vshll.u32 v6, $0x6;
	v9 =	vxor.u32 v1, v9;
	v13 =	vor.u32 v13, v14  }
0x6a: {  	v14 =	vshrl.u32 v9, $0x8;
	v16 =	vshll.u32 v9, $0x18;
	v13 =	vxor.u32 v3, v13  }
0x6b: {  	v9 =	vadd.s32 v1, v9;
	v1 =	vshrl.u32 v13, $0x11;
	v17 =	vshll.u32 v13, $0xF  }
0x6c: {  	v4 =	vor.u32 v4, v15;
	v3 =	vadd.s32 v3, v13;
	v13 =	vor.u32 v1, v17  }
0x6d: {  	v14 =	vor.u32 v14, v16;
	v1 =	vadd.s32 v2, v6;
	v6 =	vxor.u32 v3, v13  }
0x6e: {  	v2 =	vxor.u32 v9, v14;
	v13 =	vshrl.u32 v6, $0x6;
	v14 =	vshll.u32 v6, $0x1A  }
0x6f: {  	v2 =	vadd.s32 $0x2, v2;
	v3 =	vadd.s32 v3, v6;
	v6 =	vor.u32 v13, v14  }
0x70: {  	v4 =	vxor.u32 v1, v4;
	v9 =	vadd.s32 v2, v9;
	v6 =	vxor.u32 v3, v6  }
0x71: {  	v13 =	vshrl.u32 v2, $0x13;
	v14 =	vshrl.u32 v6, $0x1A;
	v15 =	vshll.u32 v6, $0x6  }
0x72: {  	v2 =	vshll.u32 v2, $0xD;
	v3 =	vadd.s32 v3, v6;
	v6 =	vor.u32 v14, v15  }
0x73: {  	v9 =	vadd.s32 $0x1BD11BF0, v9;
	v2 =	vor.u32 v13, v2;
	v6 =	vxor.u32 v3, v6  }
0x74: {  	v4 =	vadd.s32 $0x2D, v4;
	v2 =	vxor.u32 v9, v2;
	v6 =	vadd.s32 $0x1BD11BF1, v6  }
0x75: {  	v3 =	vadd.s32 v6, v3;
	v13 =	vshrl.u32 v6, $0xF;
	v6 =	vshll.u32 v6, $0x11  }
0x76: {  	v14 =	vshrl.u32 v4, $0xF;
	v3 =	vadd.s32 $0x2A, v3;
	v6 =	vor.u32 v13, v6  }
0x77: {  	v15 =	vshll.u32 v2, $0xF;
	v13 =	vshrl.u32 v2, $0x11;
	v6 =	vxor.u32 v3, v6  }
0x78: {  	v2 =	vadd.s32 v9, v2;
	v9 =	vshrl.u32 v6, $0x3;
	v16 =	vshll.u32 v6, $0x1D  }
0x79: {  	v13 =	vor.u32 v13, v15;
	v3 =	vadd.s32 v3, v6;
	v6 =	vor.u32 v9, v16  }
0x7a: {  	v9 =	vxor.u32 v2, v13;
	v13 =	vshll.u32 v4, $0x11;
	v6 =	vxor.u32 v3, v6  }
0x7b: {  	v15 =	vshrl.u32 v9, $0x6;
	v18 =	vshll.u32 v9, $0x1A;
	v2 =	vadd.s32 v2, v9  }
0x7c: {  	v16 =	vshrl.u32 v6, $0x10;
	v17 =	vshll.u32 v6, $0x10;
	v15 =	vor.u32 v15, v18  }
0x7d: {  	v3 =	vadd.s32 v3, v6;
	v16 =	vor.u32 v16, v17;
	v15 =	vxor.u32 v2, v15  }
0x7e: {  	v6 =	vor.u32 v14, v13;
	v13 =	vxor.u32 v3, v16;
	v2 =	vadd.s32 v2, v15  }
0x7f: {  	v9 =	vshrl.u32 v13, $0x8;
	v14 =	vshll.u32 v13, $0x18;
	v3 =	vadd.s32 v3, v13  }
0x80: {  	s26 =	sadd.s32 $0x50, s10;
	v13 =	vshrl.u32 v15, $0x1A;
	v9 =	vor.u32 v9, v14;
	v14 =	vshll.u32 v15, $0x6  }
0x81: {  	v9 =	vxor.u32 v3, v9;
	v13 =	vor.u32 v13, v14;
	v14 =	vadd.s32 s26, v0  }
0x82: {  	v9 =	vadd.s32 $0x2, v9;
	v13 =	vxor.u32 v2, v13;
	v16 =	vshrl.u32 v14, $0x13  }
0x83: {  	v17 =	vshll.u32 v14, $0xD;
	v3 =	vadd.s32 v9, v3;
	v15 =	vshrl.u32 v9, $0x13  }
0x84: {  	v18 =	vadd.s32 $0x1BD11BF0, v3;
	v3 =	vshll.u32 v9, $0xD;
	v9 =	vor.u32 v16, v17  }
0x85: {  	v15 =	vor.u32 v15, v3;
	v3 =	vadd.s32 $0x2D, v13;
	v9 =	vxor.u32 v14, v9  }
0x86: {  	v13 =	vxor.u32 v18, v15;
	v15 =	vshrl.u32 v9, $0x11;
	v16 =	vshll.u32 v9, $0xF  }
0x87: {  	v10 =	vadd.s32 v10, v11;
	v9 =	vadd.s32 v14, v9;
	v14 =	vor.u32 v15, v16  }
0x88: {  	v15 =	vshrl.u32 v13, $0x11;
	v16 =	vshll.u32 v13, $0xF;
	v14 =	vxor.u32 v9, v14  }
0x89: {  	v13 =	vadd.s32 v18, v13;
	v18 =	vshrl.u32 v14, $0x6;
	v19 =	vshll.u32 v14, $0x1A  }
0x8a: {  	v12 =	vxor.u32 v10, v12;
	v9 =	vadd.s32 v9, v14;
	v14 =	vor.u32 v18, v19  }
0x8b: {  	v10 =	vadd.s32 v10, v12;
	v17 =	vshrl.u32 v3, $0xF;
	v14 =	vxor.u32 v9, v14  }
0x8c: {  	v15 =	vor.u32 v15, v16;
	v19 =	vshrl.u32 v14, $0x1A;
	v20 =	vshll.u32 v14, $0x6  }
0x8d: {  	v16 =	vshll.u32 v3, $0x11;
	v9 =	vadd.s32 v9, v14;
	v14 =	vor.u32 v19, v20  }
0x8e: {  	v15 =	vxor.u32 v13, v15;
	v5 =	vor.u32 v17, v16;
	v14 =	vxor.u32 v9, v14  }
0x8f: {  	v18 =	vshrl.u32 v15, $0x6;
	v21 =	vshll.u32 v15, $0x1A;
	v14 =	vadd.s32 $0x1BD11BF1, v14  }
0x90: {  	v9 =	vadd.s32 v14, v9;
	v16 =	vshrl.u32 v14, $0xF;
	v14 =	vshll.u32 v14, $0x11  }
0x91: {  	v13 =	vadd.s32 v13, v15;
	v9 =	vadd.s32 $0x2A, v9;
	v14 =	vor.u32 v16, v14  }
0x92: {  	v16 =	vshrl.u32 v8, $0x3;
	v8 =	vshll.u32 v8, $0x1D;
	v14 =	vxor.u32 v9, v14  }
0x93: {  	v8 =	vor.u32 v16, v8;
	v16 =	vshrl.u32 v14, $0x3;
	v17 =	vshll.u32 v14, $0x1D  }
0x94: {  	v8 =	vxor.u32 v7, v8;
	v9 =	vadd.s32 v9, v14;
	v14 =	vor.u32 v16, v17  }
0x95: {  	v18 =	vor.u32 v18, v21;
	v15 =	vshrl.u32 v8, $0x10;
	v14 =	vxor.u32 v9, v14  }
0x96: {  	v16 =	vxor.u32 v13, v18;
	v17 =	vshrl.u32 v14, $0x10;
	v18 =	vshll.u32 v14, $0x10  }
0x97: {  	v19 =	vshll.u32 v8, $0x10;
	v9 =	vadd.s32 v9, v14;
	v14 =	vor.u32 v17, v18  }
0x98: {  	v8 =	vadd.s32 v7, v8;
	v7 =	vor.u32 v15, v19;
	v14 =	vxor.u32 v9, v14  }
0x99: {  	v15 =	vshrl.u32 v16, $0x1A;
	v17 =	vshrl.u32 v14, $0x8;
	v18 =	vshll.u32 v14, $0x18  }
0x9a: {  	v19 =	vxor.u32 v8, v7;
	v7 =	vadd.s32 v9, v14;
	v9 =	vor.u32 v17, v18  }
0x9b: {  	v14 =	vshrl.u32 v19, $0x8;
	v17 =	vshll.u32 v19, $0x18;
	v9 =	vxor.u32 v7, v9  }
0x9c: {  	v18 =	vshll.u32 v16, $0x6;
	v14 =	vor.u32 v14, v17;
	v9 =	vadd.s32 $0x2, v9  }
0x9d: {  	v17 =	vadd.s32 v9, v7;
	v20 =	vshrl.u32 v9, $0x13;
	v9 =	vshll.u32 v9, $0xD  }
0x9e: {  	v7 =	vadd.s32 v13, v16;
	v13 =	vadd.s32 $0x1BD11BF0, v17;
	v9 =	vor.u32 v20, v9  }
0x9f: {  	v15 =	vor.u32 v15, v18;
	v16 =	vadd.s32 v8, v19;
	v9 =	vxor.u32 v13, v9  }
0xa0: {  	s29 =	sadd.s32 $0x60, s10;
	v8 =	vxor.u32 v7, v15;
	v15 =	vshrl.u32 v9, $0x11;
	v17 =	vshll.u32 v9, $0xF  }
0xa1: {  	v20 =	vadd.s32 s29, v0;
	v13 =	vadd.s32 v13, v9;
	v9 =	vor.u32 v15, v17  }
0xa2: {  	v8 =	vadd.s32 $0x2D, v8;
	v21 =	vshll.u32 v20, $0xD;
	v17 =	vxor.u32 v13, v9  }
0xa3: {  	v15 =	vshrl.u32 v8, $0xF;
	v18 =	vshrl.u32 v17, $0x6;
	v19 =	vshll.u32 v17, $0x1A  }
0xa4: {  	v9 =	vshll.u32 v8, $0x11;
	v18 =	vor.u32 v18, v19;
	v19 =	vshrl.u32 v20, $0x13  }
0xa5: {  	v14 =	vxor.u32 v16, v14;
	v9 =	vor.u32 v15, v9;
	v15 =	vor.u32 v19, v21  }
0xa6: {  	v11 =	vadd.s32 $0x1BD11BF4, v14;
	v13 =	vadd.s32 v13, v17;
	v14 =	vxor.u32 v20, v15  }
0xa7: {  	v15 =	vadd.s32 v11, v16;
	v16 =	vshrl.u32 v14, $0x11;
	v19 =	vshll.u32 v14, $0xF  }
0xa8: {  	v18 =	vxor.u32 v13, v18;
	v14 =	vadd.s32 v20, v14;
	v16 =	vor.u32 v16, v19  }
0xa9: {  	v15 =	vadd.s32 $0x2A, v15;
	v19 =	vshll.u32 v11, $0xD;
	v16 =	vxor.u32 v14, v16  }
0xaa: {  	v11 =	vshrl.u32 v11, $0x13;
	v20 =	vshrl.u32 v16, $0x6;
	v21 =	vshll.u32 v16, $0x1A  }
0xab: {  	v11 =	vor.u32 v11, v19;
	v14 =	vadd.s32 v14, v16;
	v16 =	vor.u32 v20, v21  }
0xac: {  	v22 =	vshll.u32 v18, $0x6;
	v11 =	vxor.u32 v15, v11;
	v16 =	vxor.u32 v14, v16  }
0xad: {  	v20 =	vshrl.u32 v12, $0x3;
	v19 =	vshrl.u32 v16, $0x1A;
	v21 =	vshll.u32 v16, $0x6  }
0xae: {  	v12 =	vshll.u32 v12, $0x1D;
	v14 =	vadd.s32 v14, v16;
	v16 =	vor.u32 v19, v21  }
0xaf: {  	v12 =	vor.u32 v20, v12;
	v19 =	vshrl.u32 v11, $0x11;
	v16 =	vxor.u32 v14, v16  }
0xb0: {  	v21 =	vshll.u32 v11, $0xF;
	v11 =	vadd.s32 v15, v11;
	v16 =	vadd.s32 $0x1BD11BF1, v16  }
0xb1: {  	v14 =	vadd.s32 v16, v14;
	v15 =	vshrl.u32 v16, $0xF;
	v16 =	vshll.u32 v16, $0x11  }
0xb2: {  	v12 =	vxor.u32 v10, v12;
	v14 =	vadd.s32 $0x2A, v14;
	v15 =	vor.u32 v15, v16  }
0xb3: {  	v20 =	vadd.s32 v10, v12;
	v19 =	vor.u32 v19, v21;
	v15 =	vxor.u32 v14, v15  }
0xb4: {  	v16 =	vshrl.u32 v12, $0x10;
	v10 =	vshrl.u32 v15, $0x3;
	v17 =	vshll.u32 v15, $0x1D  }
0xb5: {  	v12 =	vshll.u32 v12, $0x10;
	v14 =	vadd.s32 v14, v15;
	v10 =	vor.u32 v10, v17  }
0xb6: {  	v19 =	vxor.u32 v11, v19;
	v12 =	vor.u32 v16, v12;
	v10 =	vxor.u32 v14, v10  }
0xb7: {  	v15 =	vshrl.u32 v18, $0x1A;
	v16 =	vshrl.u32 v10, $0x10;
	v17 =	vshll.u32 v10, $0x10  }
0xb8: {  	v12 =	vxor.u32 v20, v12;
	v10 =	vadd.s32 v14, v10;
	v14 =	vor.u32 v16, v17  }
0xb9: {  	v21 =	vshrl.u32 v12, $0x8;
	v16 =	vshll.u32 v12, $0x18;
	v14 =	vxor.u32 v10, v14  }
0xba: {  	v17 =	vor.u32 v21, v16;
	v16 =	vshrl.u32 v14, $0x8;
	v21 =	vshll.u32 v14, $0x18  }
0xbb: {  	v15 =	vor.u32 v15, v22;
	v14 =	vadd.s32 v10, v14;
	v16 =	vor.u32 v16, v21  }
0xbc: {  	p1 =	slt.u32 s12, $0x2;
	s14 =	sshll.u32 s12, $0x7;
	v10 =	vadd.s32 v13, v18;
	v18 =	vshll.u32 v19, $0x1A;
	v13 =	vxor.u32 v14, v16  }
0xbd: {  	s17 =	simm.s32 $0x20;
	s15 =	sand.u32 $0xF00, s11;
	s16 =	simm.s32 $0x20;
	v16 =	vadd.s32 v20, v12;
	v12 =	vadd.s32 $0x2, v13;
	v13 =	vxor.u32 v10, v15  }
0xbe: {  	s18 =	simm.s32 $0x40;
	s19 =	simm.s32 $0x60;
	s13 =	simm.s32 @!p1 $0x1;
	v15 =	vadd.s32 v11, v19;
	v11 =	vadd.s32 v12, v14;
	v14 =	vshrl.u32 v12, $0x13  }
0xbf: {  	s30 =	simm.s32 $0x70;
	s28 =	simm.s32 $0x0;
	_ =	swait.ge @!p1 [sflag:s13], $0x800;
	v20 =	vadd.s32 $0x1BD11BF0, v11;
	v11 =	vshll.u32 v12, $0xD;
	v12 =	vshrl.u32 v19, $0x6  }
0xc0: {  	s16 =	sand.u32 $0xF00, s16;
	s31 =	sand.u32 $0xF00, s18;
	[sflag:s13] =	ssyncset.done @!p1 $0x0;
	v14 =	vor.u32 v14, v11;
	v11 =	vadd.s32 $0x2D, v13;
	v12 =	vor.u32 v12, v18  }
0xc1: {  	s18 =	simm.s32 $0x40;
	s19 =	sand.u32 $0xF00, s19;
	[sflag:s13] =	ssyncadd.s32 @!p1 $0xFFFFF800;
	v13 =	vxor.u32 v20, v14;
	v21 =	vshrl.u32 v11, $0xF;
	v12 =	vxor.u32 v15, v12  }
0xc2: {  	s13 =	sand.u32 $0x80, s14;
	s14 =	simm.s32 $0x10;
	s22 =	simm.s32 $0x80;
	v14 =	vshrl.u32 v13, $0x11;
	v18 =	vshll.u32 v13, $0xF;
	v22 =	vshll.u32 v12, $0x6  }
0xc3: {  	s21 =	sor.u32 s16, s13;
	s20 =	sor.u32 s31, s13;
	s22 =	sand.u32 $0xF00, s22;
	v13 =	vadd.s32 v20, v13;
	v19 =	vadd.s32 v15, v12;
	v14 =	vor.u32 v14, v18  }
0xc4: {  	s16 =	simm.s32 $0x50;
	s22 =	sor.u32 s22, s13;
	s26 =	simm.s32 $0xA0;
	v20 =	vshll.u32 v11, $0x11;
	v24 =	vshrl.u32 v12, $0x1A;
	v14 =	vxor.u32 v13, v14  }
0xc5: {  	s24 =	sor.u32 s19, s13;
	s19 =	simm.s32 $0x60;
	s23 =	sand.u32 $0xF00, s26;
	v18 =	vadd.s32 $0x1BD11BF0, v19;
	v15 =	vshrl.u32 v14, $0x6;
	v23 =	vshll.u32 v14, $0x1A  }
0xc6: {  	s25 =	sor.u32 s15, s13;
	s15 =	simm.s32 $0x30;
	s23 =	sor.u32 s23, s13;
	v12 =	vor.u32 v21, v20;
	v20 =	vor.u32 v24, v22;
	v15 =	vor.u32 v15, v23  }
.LBB2_4:
0xc7: {  	s31 =	sadd.s32 s30, s10;
	v21 =	vadd.s32 v1, v4;
	v17 =	vxor.u32 v16, v17;
	v19 =	vxor.u32 v19, v20;
	v1 =	vmovc v2  }
0xc8: {  	s26 =	sadd.s32 $0x20, s26;
	v2 =	vmovc v7;
	v7 =	vmovc v10;
	v4 =	vmov v3;
	v3 =	vmov v8;
	v8 =	vmov v11;
	s0 =	smov.u32 s30;
	s29 =	sadd.s32 $0x10, s30  }
0xc9: {  	p1 =	sne.s32 s30, $0x7F0;
	v10 =	vadd.s32 s31, v0;
	s30 =	sand.u32 $0xF00, s26;
	v11 =	vadd.s32 $0x1BD11BF4, v17;
	v17 =	vadd.s32 $0x5, v19  }
0xca: {  	v19 =	vshrl.u32 v10, $0x13;
	v20 =	vshll.u32 v10, $0xD;
	s30 =	sor.u32 s30, s13;
	v17 =	vxor.u32 v18, v17  }
0xcb: {  	v16 =	vadd.s32 v11, v16;
	v18 =	vor.u32 v19, v20;
	v17 =	vshrl.u32 v17, $0x9  }
0xcc: {  	v16 =	vadd.s32 $0x2A, v16;
	v18 =	vxor.u32 v10, v18;
	v17 =	vor.u32 $0x3F800000, v17  }
0xcd: {  	v19 =	vshrl.u32 v18, $0x11;
	v20 =	vshll.u32 v18, $0xF;
	v17 =	vadd.f32 $-1.000000000e+00, v17  }
0xce: {  	s31 =	sand.u32 $0x70, s28;
	s28 =	smov.u32 s14;
	s14 =	smov.u32 s17;
	v10 =	vadd.s32 v10, v18;
	v18 =	vor.u32 v19, v20;
	v19 =	vshll.u32 v11, $0xD  }
0xcf: {  	s17 =	smov.u32 s15;
	s15 =	smov.u32 s18;
	s25 =	sadd.s32 s31, s25;
	v20 =	vxor.u32 v21, v6;
	v6 =	vmovc v5;
	v5 =	vmovc v9;
	v18 =	vxor.u32 v10, v18;
	v17 =	vadd.f32 $1.175494350e-38, v17  }
0xd0: {  	s18 =	smov.u32 s16;
	s16 =	smov.u32 s19;
	s19 =	smov.u32 s0;
	v11 =	vshrl.u32 v11, $0x13;
	v9 =	vmovc v12;
	v22 =	vshrl.u32 v18, $0x6;
	v23 =	vshll.u32 v18, $0x1A  }
0xd1: {  	v10 =	vadd.s32 v10, v18;
	v18 =	vadd.s32 v21, v20;
	v12 =	vor.u32 v22, v23;
	[tilespmem:s25+$0x0] =	vst v17;
	s25 =	smov.u32 s21;
	s21 =	smov.u32 s20;
	s20 =	smov.u32 s24  }
0xd2: {  	v11 =	vor.u32 v11, v19;
	v17 =	vshrl.u32 v20, $0x3;
	s24 =	smov.u32 s22;
	s22 =	smov.u32 s23;
	s23 =	smov.u32 s30;
	v12 =	vxor.u32 v10, v12  }
0xd3: {  	v11 =	vxor.u32 v16, v11;
	v19 =	vshrl.u32 v12, $0x1A;
	v21 =	vshll.u32 v12, $0x6  }
0xd4: {  	v10 =	vadd.s32 v10, v12;
	v12 =	vor.u32 v19, v21;
	v19 =	vshrl.u32 v11, $0x11  }
0xd5: {  	v20 =	vshll.u32 v20, $0x1D;
	v21 =	vshll.u32 v11, $0xF;
	v12 =	vxor.u32 v10, v12  }
0xd6: {  	v17 =	vor.u32 v17, v20;
	v11 =	vadd.s32 v16, v11;
	v12 =	vadd.s32 $0x1BD11BF1, v12  }
0xd7: {  	v17 =	vxor.u32 v18, v17;
	v10 =	vadd.s32 v12, v10;
	v16 =	vshrl.u32 v12, $0xF  }
0xd8: {  	v19 =	vor.u32 v19, v21;
	v12 =	vshll.u32 v12, $0x11;
	v10 =	vadd.s32 $0x2A, v10  }
0xd9: {  	v13 =	vadd.s32 v13, v14;
	v14 =	vshrl.u32 v17, $0x10;
	v12 =	vor.u32 v16, v12  }
0xda: {  	v15 =	vxor.u32 v13, v15;
	v16 =	vadd.s32 v18, v17;
	v12 =	vxor.u32 v10, v12  }
0xdb: {  	v17 =	vshll.u32 v17, $0x10;
	v18 =	vshrl.u32 v12, $0x3;
	v20 =	vshll.u32 v12, $0x1D  }
0xdc: {  	v14 =	vor.u32 v14, v17;
	v10 =	vadd.s32 v10, v12;
	v12 =	vor.u32 v18, v20  }
0xdd: {  	v14 =	vxor.u32 v16, v14;
	v18 =	vshrl.u32 v15, $0x1A;
	v12 =	vxor.u32 v10, v12  }
0xde: {  	v21 =	vshrl.u32 v14, $0x8;
	v17 =	vshrl.u32 v12, $0x10;
	v20 =	vshll.u32 v12, $0x10  }
0xdf: {  	v10 =	vadd.s32 v10, v12;
	v12 =	vor.u32 v17, v20;
	v17 =	vshll.u32 v14, $0x18  }
0xe0: {  	v20 =	vshll.u32 v15, $0x6;
	v12 =	vxor.u32 v10, v12;
	v17 =	vor.u32 v21, v17  }
0xe1: {  	v19 =	vxor.u32 v11, v19;
	v21 =	vshrl.u32 v12, $0x8;
	v22 =	vshll.u32 v12, $0x18  }
0xe2: {  	v12 =	vadd.s32 v10, v12;
	v10 =	vadd.s32 v13, v15;
	v21 =	vor.u32 v21, v22  }
0xe3: {  	v16 =	vadd.s32 v16, v14;
	v15 =	vor.u32 v18, v20;
	v13 =	vxor.u32 v12, v21  }
0xe4: {  	v14 =	vxor.u32 v10, v15;
	v15 =	vadd.s32 v11, v19;
	v13 =	vadd.s32 $0x2, v13  }
0xe5: {  	v18 =	vshll.u32 v19, $0x1A;
	v11 =	vadd.s32 v13, v12;
	v12 =	vshrl.u32 v13, $0x13  }
0xe6: {  	v20 =	vadd.s32 $0x1BD11BF0, v11;
	v11 =	vshll.u32 v13, $0xD;
	v13 =	vshrl.u32 v19, $0x6  }
0xe7: {  	v12 =	vor.u32 v12, v11;
	v11 =	vadd.s32 $0x2D, v14;
	v13 =	vor.u32 v13, v18  }
0xe8: {  	v12 =	vxor.u32 v20, v12;
	v21 =	vshrl.u32 v11, $0xF;
	v22 =	vxor.u32 v15, v13  }
.Ltmp0:
0xe9: {  	v14 =	vshrl.u32 v12, $0x11;
	v18 =	vshll.u32 v12, $0xF;
	v23 =	vshll.u32 v22, $0x6;
	(pc) =	sbr.rel @p1 .LBB2_4-.Ltmp0, $4  }
0xea: {  	v13 =	vadd.s32 v20, v12;
	v19 =	vadd.s32 v15, v22;
	v12 =	vor.u32 v14, v18  }
0xeb: {  	v18 =	vadd.s32 $0x1BD11BF0, v19;
	v14 =	vxor.u32 v13, v12;
	v12 =	vshll.u32 v11, $0x11  }
0xec: {  	v22 =	vshrl.u32 v22, $0x1A;
	v15 =	vshrl.u32 v14, $0x6;
	v20 =	vshll.u32 v14, $0x1A  }
0xed: {  	s30 =	smov.u32 s29;
	v12 =	vor.u32 v21, v12;
	v15 =	vor.u32 v15, v20;
	v20 =	vor.u32 v22, v23  }
0xee: {  	v19 =	vxor.u32 v19, v20  }
0xef: {  	v17 =	vxor.u32 v16, v17;
	v4 =	vadd.s32 v1, v4;
	v13 =	vadd.s32 v13, v14  }
0xf0: {  	v2 =	vadd.s32 v2, v3;
	v7 =	vadd.s32 v7, v8;
	v19 =	vadd.s32 $0x5, v19  }
0xf1: {  	v17 =	vadd.s32 $0x1BD11BF4, v17;
	v6 =	vxor.u32 v4, v6;
	v15 =	vxor.u32 v13, v15  }
0xf2: {  	v5 =	vxor.u32 v2, v5;
	v8 =	vxor.u32 v7, v9;
	v18 =	vxor.u32 v18, v19  }
0xf3: {  	v1 =	vadd.s32 v17, v16;
	v51 =	vshll.u32 v17, $0xD;
	v17 =	vshrl.u32 v17, $0x13  }
0xf4: {  	v53 =	vshrl.u32 v6, $0x3;
	v54 =	vshll.u32 v6, $0x1D;
	v4 =	vadd.s32 v4, v6  }
0xf5: {  	v60 =	vshrl.u32 v15, $0x1A;
	v24 =	vshll.u32 v15, $0x6;
	v33 =	vshrl.u32 v5, $0x3  }
0xf6: {  	v34 =	vshll.u32 v5, $0x1D;
	v2 =	vadd.s32 v2, v5;
	v7 =	vadd.s32 v7, v8  }
0xf7: {  	v18 =	vshrl.u32 v18, $0x9;
	v50 =	vadd.s32 $0x2A, v1;
	v52 =	vor.u32 v17, v51  }
0xf8: {  	v17 =	vor.u32 v53, v54;
	v36 =	vor.u32 v33, v34;
	v51 =	vshrl.u32 v8, $0x3  }
0xf9: {  	v8 =	vshll.u32 v8, $0x1D;
	v18 =	vor.u32 $0x3F800000, v18;
	v16 =	vxor.u32 v50, v52  }
0xfa: {  	v17 =	vxor.u32 v4, v17;
	v8 =	vor.u32 v51, v8;
	v49 =	vadd.f32 $-1.000000000e+00, v18  }
0xfb: {  	v55 =	vshrl.u32 v16, $0x11;
	v56 =	vshll.u32 v16, $0xF;
	v16 =	vadd.s32 v50, v16  }
0xfc: {  	v57 =	vshrl.u32 v17, $0x10;
	v58 =	vshll.u32 v17, $0x10;
	v17 =	vadd.s32 v4, v17  }
0xfd: {  	v54 =	vxor.u32 v7, v8;
	v59 =	vor.u32 v57, v58;
	v6 =	vor.u32 v55, v56  }
0xfe: {  	v56 =	vshrl.u32 v54, $0x10;
	v7 =	vadd.s32 v7, v54;
	v18 =	vxor.u32 v17, v59  }
0xff: {  	v1 =	vadd.f32 $1.175494350e-38, v49;
	v6 =	vxor.u32 v16, v6;
	v4 =	vshrl.u32 v18, $0x8  }
0x100: {  	v61 =	vshll.u32 v18, $0x18;
	v62 =	vshll.u32 v6, $0x1A;
	v63 =	vshrl.u32 v6, $0x6  }
0x101: {  	v16 =	vadd.s32 v16, v6;
	v6 =	vor.u32 v60, v24;
	v28 =	vadd.s32 v17, v18  }
0x102: {  	v24 =	vadd.s32 v10, v11;
	v19 =	vor.u32 v4, v61;
	v20 =	vor.u32 v63, v62  }
0x103: {  	v4 =	vadd.s32 v13, v15;
	v11 =	vxor.u32 v24, v12;
	v25 =	vxor.u32 v16, v20  }
0x104: {  	v6 =	vxor.u32 v4, v6;
	v17 =	vxor.u32 v28, v19;
	v12 =	vshrl.u32 v11, $0x3  }
0x105: {  	v26 =	vshll.u32 v25, $0x6;
	v27 =	vshrl.u32 v25, $0x1A;
	v6 =	vadd.s32 $0x2D, v6  }
0x106: {  	v13 =	vadd.s32 v16, v25;
	v17 =	vadd.s32 $0x1BD11BF4, v17;
	v14 =	vor.u32 v27, v26  }
0x107: {  	v29 =	vshrl.u32 v6, $0xF;
	v30 =	vshll.u32 v6, $0x11;
	v15 =	vadd.s32 v17, v28  }
0x108: {  	v31 =	vshll.u32 v17, $0xD;
	v32 =	vshrl.u32 v17, $0x13;
	v26 =	vshll.u32 v11, $0x1D  }
0x109: {  	v4 =	vadd.s32 v4, v6;
	v14 =	vxor.u32 v13, v14;
	v13 =	vadd.s32 $0x1BD11BF0, v13  }
0x10a: {  	v3 =	vadd.s32 $0x2A, v15;
	v15 =	vor.u32 v32, v31;
	v10 =	vor.u32 v12, v26  }
0x10b: {  	v14 =	vadd.s32 $0x5, v14;
	v35 =	vxor.u32 v3, v15;
	v15 =	vxor.u32 v2, v36  }
0x10c: {  	v14 =	vxor.u32 v13, v14;
	v13 =	vor.u32 v29, v30;
	v37 =	vshrl.u32 v35, $0x11  }
0x10d: {  	v38 =	vshll.u32 v35, $0xF;
	v3 =	vadd.s32 v3, v35;
	v40 =	vshrl.u32 v15, $0x10  }
0x10e: {  	v2 =	vadd.s32 v2, v15;
	v15 =	vshll.u32 v15, $0x10;
	v14 =	vshrl.u32 v14, $0x9  }
0x10f: {  	v39 =	vor.u32 v37, v38;
	v15 =	vor.u32 v40, v15;
	v38 =	vxor.u32 v4, v13  }
0x110: {  	v14 =	vor.u32 $0x3F800000, v14;
	v5 =	vxor.u32 v3, v39;
	v15 =	vxor.u32 v2, v15  }
0x111: {  	v41 =	vshll.u32 v5, $0x1A;
	v42 =	vshrl.u32 v5, $0x6;
	v3 =	vadd.s32 v3, v5  }
0x112: {  	v44 =	vshrl.u32 v15, $0x8;
	v45 =	vshll.u32 v15, $0x18;
	v43 =	vor.u32 v42, v41  }
0x113: {  	v2 =	vadd.s32 v2, v15;
	v16 =	vor.u32 v44, v45;
	v5 =	vxor.u32 v3, v43  }
0x114: {  	v15 =	vxor.u32 v2, v16;
	v46 =	vshll.u32 v5, $0x6;
	v47 =	vshrl.u32 v5, $0x1A  }
0x115: {  	v3 =	vadd.s32 v3, v5;
	v15 =	vadd.s32 $0x1BD11BF4, v15;
	v48 =	vor.u32 v47, v46  }
0x116: {  	v2 =	vadd.s32 v15, v2;
	v49 =	vshll.u32 v15, $0xD;
	v5 =	vxor.u32 v3, v48  }
0x117: {  	v50 =	vshrl.u32 v15, $0x13;
	v3 =	vadd.s32 $0x1BD11BF0, v3;
	v5 =	vadd.s32 $0x5, v5  }
0x118: {  	v2 =	vadd.s32 $0x2A, v2;
	v3 =	vxor.u32 v3, v5;
	v5 =	vor.u32 v50, v49  }
0x119: {  	v39 =	vshrl.u32 v38, $0x3;
	v13 =	vshll.u32 v38, $0x1D;
	v5 =	vxor.u32 v2, v5  }
0x11a: {  	v4 =	vadd.s32 v4, v38;
	v14 =	vadd.f32 $-1.000000000e+00, v14;
	v52 =	vshrl.u32 v5, $0x11  }
0x11b: {  	v53 =	vshll.u32 v5, $0xF;
	v2 =	vadd.s32 v2, v5;
	v5 =	vshll.u32 v54, $0x10  }
0x11c: {  	v3 =	vshrl.u32 v3, $0x9;
	v55 =	vor.u32 v52, v53;
	v5 =	vor.u32 v56, v5  }
0x11d: {  	v3 =	vor.u32 $0x3F800000, v3;
	v8 =	vxor.u32 v2, v55;
	v5 =	vxor.u32 v7, v5  }
0x11e: {  	v57 =	vshll.u32 v8, $0x1A;
	v58 =	vshrl.u32 v8, $0x6;
	v2 =	vadd.s32 v2, v8  }
0x11f: {  	v60 =	vshrl.u32 v5, $0x8;
	v63 =	vshll.u32 v5, $0x18;
	v59 =	vor.u32 v58, v57  }
0x120: {  	v5 =	vadd.s32 v7, v5;
	v9 =	vor.u32 v60, v63;
	v8 =	vxor.u32 v2, v59  }
0x121: {  	v20 =	vxor.u32 v5, v9;
	v61 =	vshll.u32 v8, $0x6;
	v62 =	vshrl.u32 v8, $0x1A  }
0x122: {  	v9 =	vadd.s32 v24, v11;
	v2 =	vadd.s32 v2, v8;
	v18 =	vor.u32 v62, v61  }
0x123: {  	v3 =	vadd.f32 $-1.000000000e+00, v3;
	v10 =	vxor.u32 v9, v10;
	v8 =	vxor.u32 v2, v18  }
0x124: {  	v30 =	vshrl.u32 v10, $0x10;
	v2 =	vadd.s32 $0x1BD11BF0, v2;
	v19 =	vadd.s32 $0x5, v8  }
0x125: {  	v9 =	vadd.s32 v9, v10;
	v8 =	vadd.s32 $0x1BD11BF4, v20;
	v2 =	vxor.u32 v2, v19  }
0x126: {  	v10 =	vshll.u32 v10, $0x10;
	v25 =	vshll.u32 v8, $0xD;
	v22 =	vshrl.u32 v2, $0x9  }
0x127: {  	v2 =	vadd.f32 $1.175494350e-38, v3;
	v3 =	vadd.s32 v8, v5;
	v8 =	vshrl.u32 v8, $0x13  }
0x128: {  	v10 =	vor.u32 v30, v10;
	v3 =	vadd.s32 $0x2A, v3;
	v8 =	vor.u32 v8, v25  }
0x129: {  	v40 =	vor.u32 v39, v13;
	v10 =	vxor.u32 v9, v10;
	v8 =	vxor.u32 v3, v8  }
0x12a: {  	v34 =	vshrl.u32 v10, $0x8;
	v27 =	vshrl.u32 v8, $0x11;
	v28 =	vshll.u32 v8, $0xF  }
0x12b: {  	v35 =	vshll.u32 v10, $0x18;
	v3 =	vadd.s32 v3, v8;
	v29 =	vor.u32 v27, v28  }
0x12c: {  	v9 =	vadd.s32 v9, v10;
	v11 =	vor.u32 v34, v35;
	v8 =	vxor.u32 v3, v29  }
0x12d: {  	v11 =	vxor.u32 v9, v11;
	v31 =	vshll.u32 v8, $0x1A;
	v32 =	vshrl.u32 v8, $0x6  }
0x12e: {  	v41 =	vadd.s32 $0x1BD11BF4, v11;
	v3 =	vadd.s32 v3, v8;
	v33 =	vor.u32 v32, v31  }
0x12f: {  	v21 =	vadd.f32 $1.175494350e-38, v14;
	v9 =	vadd.s32 v41, v9;
	v8 =	vxor.u32 v3, v33  }
0x130: {  	v36 =	vshll.u32 v8, $0x6;
	v3 =	vadd.s32 v3, v8;
	v8 =	vshrl.u32 v8, $0x1A  }
0x131: {  	v45 =	vshll.u32 v41, $0xD;
	v10 =	vshrl.u32 v41, $0x13;
	v8 =	vor.u32 v8, v36  }
0x132: {  	v37 =	vadd.s32 $0x1BD11BF0, v3;
	v3 =	vxor.u32 v3, v8;
	v8 =	vxor.u32 v4, v40  }
0x133: {  	v9 =	vadd.s32 $0x2A, v9;
	v42 =	vshrl.u32 v8, $0x10;
	v43 =	vshll.u32 v8, $0x10  }
0x134: {  	v10 =	vor.u32 v10, v45;
	v4 =	vadd.s32 v4, v8;
	v44 =	vor.u32 v42, v43  }
0x135: {  	v23 =	vor.u32 $0x3F800000, v22;
	v10 =	vxor.u32 v9, v10;
	v8 =	vxor.u32 v4, v44  }
0x136: {  	v48 =	vshrl.u32 v10, $0x11;
	v46 =	vshrl.u32 v8, $0x8;
	v47 =	vshll.u32 v8, $0x18  }
0x137: {  	v49 =	vshll.u32 v10, $0xF;
	v4 =	vadd.s32 v4, v8;
	v11 =	vor.u32 v46, v47  }
0x138: {  	v9 =	vadd.s32 v9, v10;
	v6 =	vor.u32 v48, v49;
	v8 =	vxor.u32 v4, v11  }
0x139: {  	v5 =	vadd.f32 $-1.000000000e+00, v23;
	v6 =	vxor.u32 v9, v6;
	v8 =	vadd.s32 $0x1BD11BF4, v8  }
0x13a: {  	v4 =	vadd.s32 v8, v4;
	v50 =	vshll.u32 v8, $0xD;
	v8 =	vshrl.u32 v8, $0x13  }
0x13b: {  	v51 =	vshll.u32 v6, $0x1A;
	v4 =	vadd.s32 $0x2A, v4;
	v8 =	vor.u32 v8, v50  }
0x13c: {  	v54 =	vshrl.u32 v6, $0x6;
	v6 =	vadd.s32 v9, v6;
	v8 =	vxor.u32 v4, v8  }
0x13d: {  	v56 =	vor.u32 v54, v51;
	v52 =	vshrl.u32 v8, $0x11;
	v53 =	vshll.u32 v8, $0xF  }
0x13e: {  	v9 =	vxor.u32 v6, v56;
	v4 =	vadd.s32 v4, v8;
	v55 =	vor.u32 v52, v53  }
0x13f: {  	v3 =	vadd.s32 $0x5, v3;
	v59 =	vshll.u32 v9, $0x6;
	v8 =	vxor.u32 v4, v55  }
0x140: {  	v6 =	vadd.s32 v6, v9;
	v57 =	vshll.u32 v8, $0x1A;
	v58 =	vshrl.u32 v8, $0x6  }
0x141: {  	v9 =	vshrl.u32 v9, $0x1A;
	v4 =	vadd.s32 v4, v8;
	v60 =	vor.u32 v58, v57  }
0x142: {  	v3 =	vxor.u32 v37, v3;
	v9 =	vor.u32 v9, v59;
	v8 =	vxor.u32 v4, v60  }
0x143: {  	v3 =	vshrl.u32 v3, $0x9;
	v61 =	vshll.u32 v8, $0x6;
	v62 =	vshrl.u32 v8, $0x1A  }
0x144: {  	v9 =	vxor.u32 v6, v9;
	v4 =	vadd.s32 v4, v8;
	v63 =	vor.u32 v62, v61  }
0x145: {  	v6 =	vadd.s32 $0x1BD11BF0, v6;
	v9 =	vadd.s32 $0x5, v9;
	v8 =	vxor.u32 v4, v63  }
0x146: {  	s0 =	sand.u32 $0x70, s28;
	v6 =	vxor.u32 v6, v9;
	v4 =	vadd.s32 $0x1BD11BF0, v4;
	v8 =	vadd.s32 $0x5, v8  }
0x147: {  	s14 =	sand.u32 $0x70, s14;
	s0 =	sadd.s32 s0, s25;
	v3 =	vor.u32 $0x3F800000, v3;
	v6 =	vshrl.u32 v6, $0x9;
	v4 =	vxor.u32 v4, v8  }
0x148: {  	s28 =	sadd.s32 $0x20, s26;
	s30 =	sand.u32 $0x70, s17;
	s29 =	sadd.s32 s14, s21;
	[tilespmem:s0+$0x0] =	vst v1;
	v1 =	vadd.f32 $-1.000000000e+00, v3;
	v3 =	vor.u32 $0x3F800000, v6;
	v4 =	vshrl.u32 v4, $0x9  }
0x149: {  	s31 =	sand.u32 $0xF00, s28;
	s14 =	sadd.s32 s30, s20;
	s20 =	sand.u32 $0x70, s15;
	[tilespmem:s29+$0x0] =	vst v21;
	v5 =	vadd.f32 $1.175494350e-38, v5;
	v3 =	vadd.f32 $-1.000000000e+00, v3;
	v4 =	vor.u32 $0x3F800000, v4  }
0x14a: {  	s25 =	sand.u32 $0x70, s18;
	s28 =	sand.u32 $0x70, s16;
	s24 =	sadd.s32 s20, s24;
	[tilespmem:s14+$0x0] =	vst v2;
	v1 =	vadd.f32 $1.175494350e-38, v1;
	v2 =	vadd.f32 $-1.000000000e+00, v4  }
0x14b: {  	s21 =	sor.u32 s31, s13;
	s26 =	sadd.s32 s25, s22;
	s29 =	sshll.u32 s12, $0xE;
	[tilespmem:s24+$0x0] =	vst v5;
	v3 =	vadd.f32 $1.175494350e-38, v3  }
0x14c: {  	s30 =	sadd.s32 s28, s23;
	s31 =	sand.u32 $0x70, s19;
	s16 =	sadd.s32 s9, s29;
	[tilespmem:s26+$0x0] =	vst v1;
	v1 =	vadd.f32 $1.175494350e-38, v2  }
0x14d: {  	s15 =	sadd.s32 s31, s21;
	s16 =	sshrl.u32 s16, $0x3;
	[tilespmem:s30+$0x0] =	vst v3  }
0x14e: {  	s0 =	sadd.s32 s4, s16;
	[tilespmem:s15+$0x0] =	vst v1  }
0x14f: {  	[hbm4b:s0+s2] =	stream.linear.scatter [tilespmem:s13], [sflag:$0x1], $0x80, $0x38;
	[tilespmem:$0x1000] =	vst v63  }
0x150: {  	s17 =	sor.u32 $0x100, s13;
	s18 =	sadd.s32 $0x80, s0  }
0x151: {  	[hbm4b:s18+s2] =	stream.linear.scatter [tilespmem:s17], [sflag:$0x1], $0x80, $0x38;
	[tilespmem:$0x1000] =	vst v63  }
0x152: {  	s19 =	sor.u32 $0x200, s13;
	s20 =	sadd.s32 $0x100, s0  }
0x153: {  	[hbm4b:s20+s2] =	stream.linear.scatter [tilespmem:s19], [sflag:$0x1], $0x80, $0x38;
	[tilespmem:$0x1000] =	vst v63  }
0x154: {  	s21 =	sor.u32 $0x300, s13;
	s22 =	sadd.s32 $0x180, s0  }
0x155: {  	[hbm4b:s22+s2] =	stream.linear.scatter [tilespmem:s21], [sflag:$0x1], $0x80, $0x38;
	[tilespmem:$0x1000] =	vst v63  }
0x156: {  	s23 =	sor.u32 $0x400, s13;
	s24 =	sadd.s32 $0x200, s0  }
0x157: {  	[hbm4b:s24+s2] =	stream.linear.scatter [tilespmem:s23], [sflag:$0x1], $0x80, $0x38;
	[tilespmem:$0x1000] =	vst v63  }
0x158: {  	s25 =	sor.u32 $0x500, s13;
	s26 =	sadd.s32 $0x280, s0  }
0x159: {  	[hbm4b:s26+s2] =	stream.linear.scatter [tilespmem:s25], [sflag:$0x1], $0x80, $0x38;
	[tilespmem:$0x1000] =	vst v63  }
0x15a: {  	s28 =	sor.u32 $0x600, s13;
	s29 =	sadd.s32 $0x300, s0  }
0x15b: {  	[hbm4b:s29+s2] =	stream.linear.scatter [tilespmem:s28], [sflag:$0x1], $0x80, $0x38;
	[tilespmem:$0x1000] =	vst v63  }
0x15c: {  	s31 =	sadd.s32 $0x380, s0;
	s30 =	sor.u32 $0x700, s13  }
0x15d: {  	[hbm4b:s31+s2] =	stream.linear.scatter [tilespmem:s30], [sflag:$0x1], $0x80, $0x38;
	[tilespmem:$0x1000] =	vst v63  }
0x15e: {  	s16 =	sor.u32 $0x800, s13;
	s17 =	sadd.s32 $0x400, s0  }
0x15f: {  	[hbm4b:s17+s2] =	stream.linear.scatter [tilespmem:s16], [sflag:$0x1], $0x80, $0x38;
	[tilespmem:$0x1000] =	vst v63  }
0x160: {  	s18 =	sor.u32 $0x900, s13;
	s19 =	sadd.s32 $0x480, s0  }
0x161: {  	[hbm4b:s19+s2] =	stream.linear.scatter [tilespmem:s18], [sflag:$0x1], $0x80, $0x38;
	[tilespmem:$0x1000] =	vst v63  }
0x162: {  	s20 =	sor.u32 $0xA00, s13;
	s21 =	sadd.s32 $0x500, s0  }
0x163: {  	[hbm4b:s21+s2] =	stream.linear.scatter [tilespmem:s20], [sflag:$0x1], $0x80, $0x38;
	[tilespmem:$0x1000] =	vst v63  }
0x164: {  	s22 =	sor.u32 $0xB00, s13;
	s23 =	sadd.s32 $0x580, s0  }
0x165: {  	[hbm4b:s23+s2] =	stream.linear.scatter [tilespmem:s22], [sflag:$0x1], $0x80, $0x38;
	[tilespmem:$0x1000] =	vst v63  }
0x166: {  	s12 =	sadd.s32 $0x1, s12;
	s24 =	sor.u32 $0xC00, s13;
	s25 =	sadd.s32 $0x600, s0  }
0x167: {  	[hbm4b:s25+s2] =	stream.linear.scatter [tilespmem:s24], [sflag:$0x1], $0x80, $0x38;
	[tilespmem:$0x1000] =	vst v63  }
0x168: {  	p1 =	sne.s32 s12, $0x8F;
	s26 =	sor.u32 $0xD00, s13;
	s28 =	sadd.s32 $0x680, s0  }
0x169: {  	[hbm4b:s28+s2] =	stream.linear.scatter [tilespmem:s26], [sflag:$0x1], $0x80, $0x38;
	[tilespmem:$0x1000] =	vst v63  }
.Ltmp1:
0x16a: {  	_ = 	snop;
	(pc) =	sbr.rel @p1 .LBB2_3-.Ltmp1, $4  }
0x16b: {  	s29 =	sor.u32 $0xE00, s13;
	s30 =	sadd.s32 $0x700, s0  }
0x16c: {  	[hbm4b:s30+s2] =	stream.linear.scatter [tilespmem:s29], [sflag:$0x1], $0x80, $0x38;
	[tilespmem:$0x1000] =	vst v63  }
0x16d: {  	s10 =	sadd.s32 $0x800, s10;
	s31 =	sor.u32 $0xF00, s13;
	s0 =	sadd.s32 $0x780, s0  }
0x16e: {  	[hbm4b:s0+s2] =	stream.linear.scatter [tilespmem:s31], [sflag:$0x1], $0x80, $0x38;
	[tilespmem:$0x1000] =	vst v63  }
0x16f: {  	s9 =	simm.s32 $0x1  }
0x170: {  	_ =	swait.ge [sflag:s9], $0x800  }
.Ltmp2:
0x171: {  	[sflag:s9] =	ssyncset.done $0x0;
	(pc) =	sbr.rel @p0 .LBB2_2-.Ltmp2, $4  }
0x172: {  	[sflag:s9] =	ssyncadd.s32 $0xFFFFF800  }
0x173: {  	_ =	swait.ge [sflag:s9], $0x800  }
0x174: {  	[sflag:s9] =	ssyncset.done $0x0  }
0x175: {  	p1 =	por $0x0, $0x0;
	[sflag:s9] =	ssyncadd.s32 $0xFFFFF800  }
0x176: {  	s8 =	sadd.s32 $0x1, s8  }
0x177: {  	p0 =	sne.s32 s8, s6  }
.Ltmp3:
0x178: {  	_ = 	snop;
	(pc) =	sbr.rel @p0 .LBB2_1-.Ltmp3, $1  }
0x179: {  	_ =	sdelay $0x3  }
0x17a: {  	_ =	sfence.sel $0x180000  }
0x17b: {  	[bflag:$0x0] =	sbarrier.arrive $0xFFFF  }
0x17c: {  	_ =	strace $0x90000047  }
0x17d: {  	[bflag:$0x2] =	sbarrier.arrive $0xFFFF  }
0x17e: {  	p0 =	sne.s32 s1, $0x0;
	s0 =	rddreg [dreg:$0x1]  }
0x17f: {  	s0 =	sadd.s32 @!p0 $0x100000, s0  }
0x180: {  	[sflag:s0] =	ssyncadd.tile.s32 @!p0 $0x1;
	_ =	shalt  }
.Lfunc_end2:
_tile_overlayer_lowered:
.L_overlay_start_2:
0x181: {  	(tag) =	ssettag $0x2  }
0x182: {  	s0 =	rddreg [dreg:$0x0];
	s2 =	stileid.u32  }
0x183: {  	s1 =	rddreg [dreg:$0x1];
	p0 =	sne.s32 s2, $0x0  }
0x184: {  	s3 =	rddreg [dreg:$0x2];
	[bflag:$0x3] =	sbarrier.arrive $0xFFFF;
	s2 =	simm.s32 @!p0 $0x1C02  }
0x185: {  	[timem:s3], [sflag:s2] =	dma.local @!p0 [hbm:s0], s1  }
0x186: {  	s0 =	simm.s32 @!p0 $0x2  }
0x187: {  	_ =	swait.ge @!p0 [sflag:s0], s1  }
0x188: {  	s1 =	ssub.s32 @!p0 $0x0, s1;
	[sflag:s0] =	ssyncset.done @!p0 $0x0  }
0x189: {  	[sflag:s0] =	ssyncadd.s32 @!p0 s1  }
0x18a: {  	[bflag:$0x3] =	sbarrier.arrive $0xFFFF  }
0x18b: {  	_ =	shalt  }

</sc_bundles>
